<compile_context>
chip_gen: v7x
topology: tpu7x:2x2x1
jax: 0.10.2.dev20260603
libtpu: 0.0.44.dev20260713+nightly
codegen_flags: <defaults>
</compile_context>

<pallas_src>
import functools

import jax
import jax.numpy as jnp
from jax import lax
from jax.experimental import pallas as pl
from jax.experimental.pallas import tpu as pltpu
from jax.experimental.pallas import tpu_sc as plsc

D = 128
NC, NS = 2, 16
NW = NC * NS
CHUNK = 48
DEG = 3
LANES = 16
NBUF = 2


def _sc_gather_sum(table, idx_flat):
    num_chunks = idx_flat.shape[0] // (DEG * CHUNK)
    k_per_w = num_chunks // NW
    assert k_per_w % NBUF == 0, "pipelined loop needs chunk count % NBUF == 0"
    rp = num_chunks * CHUNK
    mesh = plsc.VectorSubcoreMesh(core_axis_name="c", subcore_axis_name="s")

    @functools.partial(
        pl.kernel,
        mesh=mesh,
        out_type=jax.ShapeDtypeStruct((rp, D), jnp.float32),
        scratch_types=[
            pltpu.VMEM((k_per_w * DEG * CHUNK,), jnp.int32),
        ]
        + [pltpu.VMEM((DEG * CHUNK, D), jnp.float32) for _ in range(NBUF)]
        + [pltpu.VMEM((CHUNK, D), jnp.float32)]
        + [pltpu.SemaphoreType.DMA for _ in range(NBUF + 1)],
    )
    def sc_kernel(table_hbm, idx_hbm, out_hbm, idx_v, *rest):
        nbrs = rest[:NBUF]
        acc_v = rest[NBUF]
        sems = rest[NBUF + 1 : 2 * NBUF + 1]
        sem_o = rest[2 * NBUF + 1]
        wid = lax.axis_index("s") * NC + lax.axis_index("c")

        def start_gathers(ck_local, slot):
            pltpu.make_async_copy(
                table_hbm.at[idx_v.at[pl.ds(ck_local * DEG * CHUNK, DEG * CHUNK)]],
                nbrs[slot],
                sems[slot],
            ).start()

        def wait_gathers(slot):
            pltpu.make_async_copy(
                table_hbm.at[pl.ds(0, DEG * CHUNK)], nbrs[slot], sems[slot]
            ).wait()

        def wait_out():
            pltpu.make_async_copy(
                acc_v, out_hbm.at[pl.ds(0, CHUNK)], sem_o
            ).wait()

        per_w = k_per_w * DEG * CHUNK
        pltpu.sync_copy(idx_hbm.at[pl.ds(wid * per_w, per_w)], idx_v)
        for slot in range(NBUF - 1):
            start_gathers(slot, slot)

        def round_body(t, carry):
            for slot in range(NBUF):
                ck = NBUF * t + slot
                ahead = (slot + NBUF - 1) % NBUF

                @pl.when(ck + NBUF - 1 < k_per_w)
                def _():
                    start_gathers(ck + NBUF - 1, ahead)

                wait_gathers(slot)

                @pl.when(ck >= 1)
                def _():
                    wait_out()

                nbr = nbrs[slot]

                def node_body(c, carry2):
                    r = c * DEG
                    for s8 in range(D // LANES):
                        sl = pl.ds(s8 * LANES, LANES)
                        acc_v[c, sl] = nbr[r, sl] + nbr[r + 1, sl] + nbr[r + 2, sl]
                    return carry2

                lax.fori_loop(0, CHUNK, node_body, None)
                pltpu.make_async_copy(
                    acc_v,
                    out_hbm.at[pl.ds((wid * k_per_w + ck) * CHUNK, CHUNK)],
                    sem_o,
                ).start()
            return carry

        lax.fori_loop(0, k_per_w // NBUF, round_body, None)
        wait_out()

    return sc_kernel(table, idx_flat)


def _tc_combine(x, s, Wm, WuT, bm2, bu2, block_rows, n_blocks, blk_off, prev):
    rows = x.shape[0]
    f32 = jnp.float32

    def body(x_ref, s_ref, wm_ref, wut_ref, bm_ref, bu_ref, *rest):
        o_ref, bf_scr = rest[-2:]
        wu2t = wut_ref[...][D:, :]

        @pl.when(pl.program_id(0) == 0)
        def _():
            bf_scr[...] = lax.dot_general(
                wm_ref[...], wu2t, (((0,), (0,)), ((), ())),
                preferred_element_type=f32,
            ) * (1.0 / DEG)

        c = (
            lax.dot_general(
                bm_ref[...], wu2t, (((1,), (0,)), ((), ())),
                preferred_element_type=f32,
            )
            + bu_ref[...]
        )
        o_ref[...] = (
            lax.dot_general(
                x_ref[...], wut_ref[...][:D, :], (((1,), (0,)), ((), ())),
                preferred_element_type=f32,
            )
            + lax.dot_general(
                s_ref[...], bf_scr[...], (((1,), (0,)), ((), ())),
                preferred_element_type=f32,
            )
            + c
        )

    in_specs = [
        pl.BlockSpec((block_rows, D), lambda i: (i + blk_off, 0)),
        pl.BlockSpec((block_rows, D), lambda i: (i, 0)),
        pl.BlockSpec((D, D), lambda i: (0, 0)),
        pl.BlockSpec((2 * D, D), lambda i: (0, 0)),
        pl.BlockSpec((1, D), lambda i: (0, 0)),
        pl.BlockSpec((1, D), lambda i: (0, 0)),
    ]
    operands = [x, s, Wm, WuT, bm2, bu2]
    aliases = {}
    if prev is not None:
        in_specs.append(pl.BlockSpec(memory_space=pltpu.MemorySpace.HBM))
        operands.append(prev)
        aliases = {6: 0}
    return pl.pallas_call(
        body,
        grid=(n_blocks,),
        in_specs=in_specs,
        out_specs=pl.BlockSpec((block_rows, D), lambda i: (i + blk_off, 0)),
        out_shape=jax.ShapeDtypeStruct((rows, D), jnp.float32),
        scratch_shapes=[pltpu.VMEM((D, D), f32)],
        input_output_aliases=aliases,
    )(*operands)


def kernel(vertex_feats, vertex_adj, Wm, bm, Wu, bu):
    B, N, d = vertex_feats.shape
    R = B * N
    table = vertex_feats.reshape(R, d)

    idx = vertex_adj.astype(jnp.int32).reshape(-1)

    P = 1
    rows_p = N // P
    assert rows_p * P == N
    k_per_w = -(-rows_p // (NW * CHUNK))
    k_per_w = -(-k_per_w // NBUF) * NBUF
    num_chunks = NW * k_per_w
    pad = num_chunks * DEG * CHUNK - rows_p * DEG

    block_rows = 2000
    assert rows_p % block_rows == 0
    n_blocks = rows_p // block_rows

    WuT = Wu.T
    bm2 = bm.reshape(1, d)
    bu2 = bu.reshape(1, d)

    pad_idx = (jnp.arange(pad, dtype=jnp.int32) * 16) % N
    s_list = []
    for b in range(B):
        for p in range(P):
            gidx = jnp.concatenate(
                [
                    idx[(p * rows_p) * DEG : ((p + 1) * rows_p) * DEG]
                    + jnp.int32(b * N),
                    pad_idx,
                ]
            )
            s_list.append(_sc_gather_sum(table, gidx))
    out = None
    for q in range(B * P):
        out = _tc_combine(
            table, s_list[q], Wm, WuT, bm2, bu2,
            block_rows, n_blocks, q * n_blocks, out,
        )
    return out.reshape(B, N, d)

# --- scband reference (transcript-rebuilt; emitter-appended) ---
"""Pipeline reference for scband-vertex-message-pass-77618648973581 (READ-ONLY COPY).

The authoritative reference and input builder live on the scoring server;
editing this copy changes nothing except your own understanding.
"""

import jax, jax.numpy as jnp
import numpy as np

DIM = 128
N_NODES = 100000
BATCH = 2


def setup_inputs(seed: int = 0) -> dict:
    key = jax.random.key(seed)
    k1, k2, k3, k4, k5, k6 = jax.random.split(key, 6)
    vertex_feats = jax.random.normal(k1, (BATCH, N_NODES, DIM), dtype=jnp.float32)
    vertex_adj = jax.random.randint(k2, (N_NODES, 3), 0, N_NODES, dtype=jnp.int64)
    # Linear params (torch convention: weight [out, in])
    lim_m = 1.0 / np.sqrt(DIM)
    Wm = jax.random.uniform(k3, (DIM, DIM), minval=-lim_m, maxval=lim_m, dtype=jnp.float32)
    bm = jax.random.uniform(k4, (DIM,), minval=-lim_m, maxval=lim_m, dtype=jnp.float32)
    lim_u = 1.0 / np.sqrt(2 * DIM)
    Wu = jax.random.uniform(k5, (DIM, 2 * DIM), minval=-lim_u, maxval=lim_u, dtype=jnp.float32)
    bu = jax.random.uniform(k6, (DIM,), minval=-lim_u, maxval=lim_u, dtype=jnp.float32)
    return {"vertex_feats": vertex_feats, "vertex_adj": vertex_adj, "Wm": Wm, "bm": bm, "Wu": Wu, "bu": bu}


def reference(vertex_feats, vertex_adj, Wm, bm, Wu, bu):
    B, N, D = vertex_feats.shape
    mask = (vertex_adj >= 0).astype(jnp.float32)  # (N, 3)
    safe_idx = jnp.clip(vertex_adj, 0, None)
    # gather neighbors: (B, N*3, D) -> (B, N, 3, D)
    neighbors = jnp.take(vertex_feats, safe_idx.reshape(-1), axis=1).reshape(B, N, 3, D)
    neighbors = neighbors * mask[None, :, :, None]
    messages = neighbors @ Wm.T + bm  # (B, N, 3, D)
    count = jnp.clip(jnp.sum(mask[None, :, :, None], axis=2), 1, None)  # (B, N, 1)
    agg = jnp.sum(messages, axis=2) / count  # (B, N, D)
    combined = jnp.concatenate([vertex_feats, agg], axis=-1)  # (B, N, 2D)
    return combined @ Wu.T + bu

if __name__ == "__main__":
    import jax
    _d = setup_inputs()
    print(jax.jit(kernel)(*tuple(_d.values())))

</pallas_src>

<mosaic_0001>
#map = affine_map<(d0, d1) -> (0, 0)>
#map1 = affine_map<(d0, d1) -> (0)>
module attributes {stable_mosaic.version = 14 : i64} {
  func.func @sc_kernel(%arg0: i32, %arg1: i32, %arg2: memref<200000x128xf32, #tpu.memory_space<hbm>>, %arg3: memref<304128xi32, #tpu.memory_space<hbm>>, %arg4: memref<101376x128xf32, #tpu.memory_space<hbm>>, %arg5: memref<9504xi32, #tpu.memory_space<vmem>>, %arg6: memref<144x128xf32, #tpu.memory_space<vmem>>, %arg7: memref<144x128xf32, #tpu.memory_space<vmem>>, %arg8: memref<48x128xf32, #tpu.memory_space<vmem>>, %arg9: memref<!tpu.dma_semaphore, #tpu.memory_space<semaphore_mem>>, %arg10: memref<!tpu.dma_semaphore, #tpu.memory_space<semaphore_mem>>, %arg11: memref<!tpu.dma_semaphore, #tpu.memory_space<semaphore_mem>>) attributes {dimension_semantics = [#tpu.dimension_semantics<core_parallel>, #tpu.dimension_semantics<subcore_parallel>], iteration_bounds = array<i64: 2, 16>, scalar_prefetch = 0 : i64, scratch_operands = 7 : i64, tpu.core_type = #tpu.core_type<sc_vector_subcore>, window_params = [{transform_indices = #map}, {transform_indices = #map1}, {transform_indices = #map}]} {
    %mul3A = arith.constant 2 : i32
    %mul3A_0 = arith.muli %arg1, %mul3A : i32
    %add3A = arith.addi %mul3A_0, %arg0 : i32
    %mul3A_1 = arith.constant 9504 : i32
    %mul3A_2 = arith.muli %add3A, %mul3A_1 : i32
    "tpu.region"() ({
      %run_scoped3A = tpu.sem_alloc : memref<!tpu.dma_semaphore, #tpu.memory_space<semaphore_mem>>
      %dma_start3A_16 = tpu.memref_slice %arg3[%mul3A_2] : memref<304128xi32, #tpu.memory_space<hbm>> -> memref<9504xi32, #tpu.memory_space<hbm>>
      %dma_start3A_17 = tpu.memref_slice %arg3[%mul3A_2] : memref<304128xi32, #tpu.memory_space<hbm>> -> memref<9504xi32, #tpu.memory_space<hbm>>
      tpu.enqueue_dma source(%dma_start3A_17 : memref<9504xi32, #tpu.memory_space<hbm>>) target(%arg5 : memref<9504xi32, #tpu.memory_space<vmem>>) target_semaphore(%run_scoped3A : memref<!tpu.dma_semaphore, #tpu.memory_space<semaphore_mem>>)
      %dma_wait3A_18 = tpu.memref_slice %arg3[%mul3A_2] : memref<304128xi32, #tpu.memory_space<hbm>> -> memref<9504xi32, #tpu.memory_space<hbm>>
      %dma_wait3A_19 = tpu.memref_slice %arg3[%mul3A_2] : memref<304128xi32, #tpu.memory_space<hbm>> -> memref<9504xi32, #tpu.memory_space<hbm>>
      tpu.wait_dma2 semaphore(%run_scoped3A : memref<!tpu.dma_semaphore, #tpu.memory_space<semaphore_mem>>) src(%dma_wait3A_19 : memref<9504xi32, #tpu.memory_space<hbm>>) dst(%arg5 : memref<9504xi32, #tpu.memory_space<vmem>>)
      tpu.yield
    }) : () -> ()
    %dma_start3A = arith.constant 0 : i32
    %dma_start3A_3 = tpu.memref_slice %arg5[%dma_start3A] : memref<9504xi32, #tpu.memory_space<vmem>> -> memref<144xi32, #tpu.memory_space<vmem>>
    %dma_start3A_4 = arith.constant 0 : i32
    %dma_start3A_5 = arith.constant 0 : i32
    %dma_start3A_6 = tpu.memref_slice %arg2[%dma_start3A_4, %dma_start3A_5] : memref<200000x128xf32, #tpu.memory_space<hbm>> -> memref<200000x128xf32, #tpu.memory_space<hbm>>
    tpu.enqueue_indirect_dma source(%dma_start3A_6 : memref<200000x128xf32, #tpu.memory_space<hbm>>) target(%arg6 : memref<144x128xf32, #tpu.memory_space<vmem>>) offsets(%dma_start3A_3 : memref<144xi32, #tpu.memory_space<vmem>>) semaphore(%arg9 : memref<!tpu.dma_semaphore, #tpu.memory_space<semaphore_mem>>)
    %scan3A = arith.constant 0 : i32
    %scan3A_7 = arith.constant 33 : i32
    %scan3A_8 = arith.addi %scan3A, %scan3A_7 : i32
    %scan3A_9 = arith.constant 1 : i32
    scf.for %scan3A_16 = %scan3A to %scan3A_8 step %scan3A_9  : i32 {
      %mul3A_17 = arith.constant 2 : i32
      %mul3A_18 = arith.muli %mul3A_17, %scan3A_16 : i32
      %add3A_19 = arith.constant 0 : i32
      %add3A_20 = arith.addi %mul3A_18, %add3A_19 : i32
      %add3A_21 = arith.constant 2 : i32
      %add3A_22 = arith.addi %add3A_20, %add3A_21 : i32
      %sub3A = arith.constant 1 : i32
      %sub3A_23 = arith.subi %add3A_22, %sub3A : i32
      %lt3A = arith.constant 66 : i32
      %lt3A_24 = arith.cmpi slt, %sub3A_23, %lt3A : i32
      %convert_element_type3A = arith.extui %lt3A_24 : i1 to i32
      %cond3A = arith.constant 0 : i32
      %cond3A_25 = arith.cmpi ne, %convert_element_type3A, %cond3A : i32
      scf.if %cond3A_25 {
        %add3A_88 = arith.constant 2 : i32
        %add3A_89 = arith.addi %add3A_20, %add3A_88 : i32
        %sub3A_90 = arith.constant 1 : i32
        %sub3A_91 = arith.subi %add3A_89, %sub3A_90 : i32
        %mul3A_92 = arith.constant 3 : i32
        %mul3A_93 = arith.muli %sub3A_91, %mul3A_92 : i32
        %mul3A_94 = arith.constant 48 : i32
        %mul3A_95 = arith.muli %mul3A_93, %mul3A_94 : i32
        %dma_start3A_96 = tpu.memref_slice %arg5[%mul3A_95] : memref<9504xi32, #tpu.memory_space<vmem>> -> memref<144xi32, #tpu.memory_space<vmem>>
        %dma_start3A_97 = arith.constant 0 : i32
        %dma_start3A_98 = arith.constant 0 : i32
        %dma_start3A_99 = tpu.memref_slice %arg2[%dma_start3A_97, %dma_start3A_98] : memref<200000x128xf32, #tpu.memory_space<hbm>> -> memref<200000x128xf32, #tpu.memory_space<hbm>>
        tpu.enqueue_indirect_dma source(%dma_start3A_99 : memref<200000x128xf32, #tpu.memory_space<hbm>>) target(%arg7 : memref<144x128xf32, #tpu.memory_space<vmem>>) offsets(%dma_start3A_96 : memref<144xi32, #tpu.memory_space<vmem>>) semaphore(%arg10 : memref<!tpu.dma_semaphore, #tpu.memory_space<semaphore_mem>>)
      } else {
      }
      %dma_wait3A_26 = arith.constant 0 : i32
      %dma_wait3A_27 = arith.constant 0 : i32
      %dma_wait3A_28 = tpu.memref_slice %arg2[%dma_wait3A_26, %dma_wait3A_27] : memref<200000x128xf32, #tpu.memory_space<hbm>> -> memref<144x128xf32, #tpu.memory_space<hbm>>
      %dma_wait3A_29 = arith.constant 0 : i32
      %dma_wait3A_30 = arith.constant 0 : i32
      %dma_wait3A_31 = tpu.memref_slice %arg2[%dma_wait3A_29, %dma_wait3A_30] : memref<200000x128xf32, #tpu.memory_space<hbm>> -> memref<144x128xf32, #tpu.memory_space<hbm>>
      tpu.wait_dma2 semaphore(%arg9 : memref<!tpu.dma_semaphore, #tpu.memory_space<semaphore_mem>>) src(%dma_wait3A_31 : memref<144x128xf32, #tpu.memory_space<hbm>>) dst(%arg6 : memref<144x128xf32, #tpu.memory_space<vmem>>)
      %ge3A = arith.constant 1 : i32
      %ge3A_32 = arith.cmpi sge, %add3A_20, %ge3A : i32
      %convert_element_type3A_33 = arith.extui %ge3A_32 : i1 to i32
      %cond3A_34 = arith.constant 0 : i32
      %cond3A_35 = arith.cmpi ne, %convert_element_type3A_33, %cond3A_34 : i32
      scf.if %cond3A_35 {
        %dma_wait3A_88 = arith.constant 0 : i32
        %dma_wait3A_89 = arith.constant 0 : i32
        %dma_wait3A_90 = tpu.memref_slice %arg4[%dma_wait3A_88, %dma_wait3A_89] : memref<101376x128xf32, #tpu.memory_space<hbm>> -> memref<48x128xf32, #tpu.memory_space<hbm>>
        %dma_wait3A_91 = arith.constant 0 : i32
        %dma_wait3A_92 = arith.constant 0 : i32
        %dma_wait3A_93 = tpu.memref_slice %arg4[%dma_wait3A_91, %dma_wait3A_92] : memref<101376x128xf32, #tpu.memory_space<hbm>> -> memref<48x128xf32, #tpu.memory_space<hbm>>
        tpu.wait_dma2 semaphore(%arg11 : memref<!tpu.dma_semaphore, #tpu.memory_space<semaphore_mem>>) src(%arg8 : memref<48x128xf32, #tpu.memory_space<vmem>>) dst(%dma_wait3A_93 : memref<48x128xf32, #tpu.memory_space<hbm>>)
      } else {
      }
      %scan3A_36 = arith.constant 0 : i32
      %scan3A_37 = arith.constant 48 : i32
      %scan3A_38 = arith.addi %scan3A_36, %scan3A_37 : i32
      %scan3A_39 = arith.constant 1 : i32
      scf.for %scan3A_88 = %scan3A_36 to %scan3A_38 step %scan3A_39  : i32 {
        %mul3A_89 = arith.constant 3 : i32
        %mul3A_90 = arith.muli %scan3A_88, %mul3A_89 : i32
        %get3A = arith.index_cast %mul3A_90 : i32 to index
        %get3A_91 = arith.constant 0 : index
        %get3A_92 = tpu.vector_load %arg6[%get3A, %get3A_91] {strides = array<i32>} : memref<144x128xf32, #tpu.memory_space<vmem>>, vector<1x16xf32>,
        %get3A_93 = vector.shape_cast %get3A_92 : vector<1x16xf32> to vector<16xf32>
        %add3A_94 = arith.constant 1 : i32
        %add3A_95 = arith.addi %mul3A_90, %add3A_94 : i32
        %get3A_96 = arith.index_cast %add3A_95 : i32 to index
        %get3A_97 = arith.constant 0 : index
        %get3A_98 = tpu.vector_load %arg6[%get3A_96, %get3A_97] {strides = array<i32>} : memref<144x128xf32, #tpu.memory_space<vmem>>, vector<1x16xf32>,
        %get3A_99 = vector.shape_cast %get3A_98 : vector<1x16xf32> to vector<16xf32>
        %add3A_100 = arith.addf %get3A_93, %get3A_99 : vector<16xf32>
        %add3A_101 = arith.constant 2 : i32
        %add3A_102 = arith.addi %mul3A_90, %add3A_101 : i32
        %get3A_103 = arith.index_cast %add3A_102 : i32 to index
        %get3A_104 = arith.constant 0 : index
        %get3A_105 = tpu.vector_load %arg6[%get3A_103, %get3A_104] {strides = array<i32>} : memref<144x128xf32, #tpu.memory_space<vmem>>, vector<1x16xf32>,
        %get3A_106 = vector.shape_cast %get3A_105 : vector<1x16xf32> to vector<16xf32>
        %add3A_107 = arith.addf %add3A_100, %get3A_106 : vector<16xf32>
        %swap3A = arith.index_cast %scan3A_88 : i32 to index
        %swap3A_108 = arith.constant 0 : index
        %swap3A_109 = tpu.vector_load %arg8[%swap3A, %swap3A_108] {strides = array<i32>} : memref<48x128xf32, #tpu.memory_space<vmem>>, vector<1x16xf32>,
        %swap3A_110 = vector.shape_cast %swap3A_109 : vector<1x16xf32> to vector<16xf32>
        %swap3A_111 = vector.shape_cast %add3A_107 : vector<16xf32> to vector<1x16xf32>
        tpu.vector_store %arg8[%swap3A, %swap3A_108], %swap3A_111 {strides = array<i32>} : memref<48x128xf32, #tpu.memory_space<vmem>>, vector<1x16xf32>,
        %get3A_112 = arith.index_cast %mul3A_90 : i32 to index
        %get3A_113 = arith.constant 16 : index
        %get3A_114 = tpu.vector_load %arg6[%get3A_112, %get3A_113] {strides = array<i32>} : memref<144x128xf32, #tpu.memory_space<vmem>>, vector<1x16xf32>,
        %get3A_115 = vector.shape_cast %get3A_114 : vector<1x16xf32> to vector<16xf32>
        %add3A_116 = arith.constant 1 : i32
        %add3A_117 = arith.addi %mul3A_90, %add3A_116 : i32
        %get3A_118 = arith.index_cast %add3A_117 : i32 to index
        %get3A_119 = arith.constant 16 : index
        %get3A_120 = tpu.vector_load %arg6[%get3A_118, %get3A_119] {strides = array<i32>} : memref<144x128xf32, #tpu.memory_space<vmem>>, vector<1x16xf32>,
        %get3A_121 = vector.shape_cast %get3A_120 : vector<1x16xf32> to vector<16xf32>
        %add3A_122 = arith.addf %get3A_115, %get3A_121 : vector<16xf32>
        %add3A_123 = arith.constant 2 : i32
        %add3A_124 = arith.addi %mul3A_90, %add3A_123 : i32
        %get3A_125 = arith.index_cast %add3A_124 : i32 to index
        %get3A_126 = arith.constant 16 : index
        %get3A_127 = tpu.vector_load %arg6[%get3A_125, %get3A_126] {strides = array<i32>} : memref<144x128xf32, #tpu.memory_space<vmem>>, vector<1x16xf32>,
        %get3A_128 = vector.shape_cast %get3A_127 : vector<1x16xf32> to vector<16xf32>
        %add3A_129 = arith.addf %add3A_122, %get3A_128 : vector<16xf32>
        %swap3A_130 = arith.index_cast %scan3A_88 : i32 to index
        %swap3A_131 = arith.constant 16 : index
        %swap3A_132 = tpu.vector_load %arg8[%swap3A_130, %swap3A_131] {strides = array<i32>} : memref<48x128xf32, #tpu.memory_space<vmem>>, vector<1x16xf32>,
        %swap3A_133 = vector.shape_cast %swap3A_132 : vector<1x16xf32> to vector<16xf32>
        %swap3A_134 = vector.shape_cast %add3A_129 : vector<16xf32> to vector<1x16xf32>
        tpu.vector_store %arg8[%swap3A_130, %swap3A_131], %swap3A_134 {strides = array<i32>} : memref<48x128xf32, #tpu.memory_space<vmem>>, vector<1x16xf32>,
        %get3A_135 = arith.index_cast %mul3A_90 : i32 to index
        %get3A_136 = arith.constant 32 : index
        %get3A_137 = tpu.vector_load %arg6[%get3A_135, %get3A_136] {strides = array<i32>} : memref<144x128xf32, #tpu.memory_space<vmem>>, vector<1x16xf32>,
        %get3A_138 = vector.shape_cast %get3A_137 : vector<1x16xf32> to vector<16xf32>
        %add3A_139 = arith.constant 1 : i32
        %add3A_140 = arith.addi %mul3A_90, %add3A_139 : i32
        %get3A_141 = arith.index_cast %add3A_140 : i32 to index
        %get3A_142 = arith.constant 32 : index
        %get3A_143 = tpu.vector_load %arg6[%get3A_141, %get3A_142] {strides = array<i32>} : memref<144x128xf32, #tpu.memory_space<vmem>>, vector<1x16xf32>,
        %get3A_144 = vector.shape_cast %get3A_143 : vector<1x16xf32> to vector<16xf32>
        %add3A_145 = arith.addf %get3A_138, %get3A_144 : vector<16xf32>
        %add3A_146 = arith.constant 2 : i32
        %add3A_147 = arith.addi %mul3A_90, %add3A_146 : i32
        %get3A_148 = arith.index_cast %add3A_147 : i32 to index
        %get3A_149 = arith.constant 32 : index
        %get3A_150 = tpu.vector_load %arg6[%get3A_148, %get3A_149] {strides = array<i32>} : memref<144x128xf32, #tpu.memory_space<vmem>>, vector<1x16xf32>,
        %get3A_151 = vector.shape_cast %get3A_150 : vector<1x16xf32> to vector<16xf32>
        %add3A_152 = arith.addf %add3A_145, %get3A_151 : vector<16xf32>
        %swap3A_153 = arith.index_cast %scan3A_88 : i32 to index
        %swap3A_154 = arith.constant 32 : index
        %swap3A_155 = tpu.vector_load %arg8[%swap3A_153, %swap3A_154] {strides = array<i32>} : memref<48x128xf32, #tpu.memory_space<vmem>>, vector<1x16xf32>,
        %swap3A_156 = vector.shape_cast %swap3A_155 : vector<1x16xf32> to vector<16xf32>
        %swap3A_157 = vector.shape_cast %add3A_152 : vector<16xf32> to vector<1x16xf32>
        tpu.vector_store %arg8[%swap3A_153, %swap3A_154], %swap3A_157 {strides = array<i32>} : memref<48x128xf32, #tpu.memory_space<vmem>>, vector<1x16xf32>,
        %get3A_158 = arith.index_cast %mul3A_90 : i32 to index
        %get3A_159 = arith.constant 48 : index
        %get3A_160 = tpu.vector_load %arg6[%get3A_158, %get3A_159] {strides = array<i32>} : memref<144x128xf32, #tpu.memory_space<vmem>>, vector<1x16xf32>,
        %get3A_161 = vector.shape_cast %get3A_160 : vector<1x16xf32> to vector<16xf32>
        %add3A_162 = arith.constant 1 : i32
        %add3A_163 = arith.addi %mul3A_90, %add3A_162 : i32
        %get3A_164 = arith.index_cast %add3A_163 : i32 to index
        %get3A_165 = arith.constant 48 : index
        %get3A_166 = tpu.vector_load %arg6[%get3A_164, %get3A_165] {strides = array<i32>} : memref<144x128xf32, #tpu.memory_space<vmem>>, vector<1x16xf32>,
        %get3A_167 = vector.shape_cast %get3A_166 : vector<1x16xf32> to vector<16xf32>
        %add3A_168 = arith.addf %get3A_161, %get3A_167 : vector<16xf32>
        %add3A_169 = arith.constant 2 : i32
        %add3A_170 = arith.addi %mul3A_90, %add3A_169 : i32
        %get3A_171 = arith.index_cast %add3A_170 : i32 to index
        %get3A_172 = arith.constant 48 : index
        %get3A_173 = tpu.vector_load %arg6[%get3A_171, %get3A_172] {strides = array<i32>} : memref<144x128xf32, #tpu.memory_space<vmem>>, vector<1x16xf32>,
        %get3A_174 = vector.shape_cast %get3A_173 : vector<1x16xf32> to vector<16xf32>
        %add3A_175 = arith.addf %add3A_168, %get3A_174 : vector<16xf32>
        %swap3A_176 = arith.index_cast %scan3A_88 : i32 to index
        %swap3A_177 = arith.constant 48 : index
        %swap3A_178 = tpu.vector_load %arg8[%swap3A_176, %swap3A_177] {strides = array<i32>} : memref<48x128xf32, #tpu.memory_space<vmem>>, vector<1x16xf32>,
        %swap3A_179 = vector.shape_cast %swap3A_178 : vector<1x16xf32> to vector<16xf32>
        %swap3A_180 = vector.shape_cast %add3A_175 : vector<16xf32> to vector<1x16xf32>
        tpu.vector_store %arg8[%swap3A_176, %swap3A_177], %swap3A_180 {strides = array<i32>} : memref<48x128xf32, #tpu.memory_space<vmem>>, vector<1x16xf32>,
        %get3A_181 = arith.index_cast %mul3A_90 : i32 to index
        %get3A_182 = arith.constant 64 : index
        %get3A_183 = tpu.vector_load %arg6[%get3A_181, %get3A_182] {strides = array<i32>} : memref<144x128xf32, #tpu.memory_space<vmem>>, vector<1x16xf32>,
        %get3A_184 = vector.shape_cast %get3A_183 : vector<1x16xf32> to vector<16xf32>
        %add3A_185 = arith.constant 1 : i32
        %add3A_186 = arith.addi %mul3A_90, %add3A_185 : i32
        %get3A_187 = arith.index_cast %add3A_186 : i32 to index
        %get3A_188 = arith.constant 64 : index
        %get3A_189 = tpu.vector_load %arg6[%get3A_187, %get3A_188] {strides = array<i32>} : memref<144x128xf32, #tpu.memory_space<vmem>>, vector<1x16xf32>,
        %get3A_190 = vector.shape_cast %get3A_189 : vector<1x16xf32> to vector<16xf32>
        %add3A_191 = arith.addf %get3A_184, %get3A_190 : vector<16xf32>
        %add3A_192 = arith.constant 2 : i32
        %add3A_193 = arith.addi %mul3A_90, %add3A_192 : i32
        %get3A_194 = arith.index_cast %add3A_193 : i32 to index
        %get3A_195 = arith.constant 64 : index
        %get3A_196 = tpu.vector_load %arg6[%get3A_194, %get3A_195] {strides = array<i32>} : memref<144x128xf32, #tpu.memory_space<vmem>>, vector<1x16xf32>,
        %get3A_197 = vector.shape_cast %get3A_196 : vector<1x16xf32> to vector<16xf32>
        %add3A_198 = arith.addf %add3A_191, %get3A_197 : vector<16xf32>
        %swap3A_199 = arith.index_cast %scan3A_88 : i32 to index
        %swap3A_200 = arith.constant 64 : index
        %swap3A_201 = tpu.vector_load %arg8[%swap3A_199, %swap3A_200] {strides = array<i32>} : memref<48x128xf32, #tpu.memory_space<vmem>>, vector<1x16xf32>,
        %swap3A_202 = vector.shape_cast %swap3A_201 : vector<1x16xf32> to vector<16xf32>
        %swap3A_203 = vector.shape_cast %add3A_198 : vector<16xf32> to vector<1x16xf32>
        tpu.vector_store %arg8[%swap3A_199, %swap3A_200], %swap3A_203 {strides = array<i32>} : memref<48x128xf32, #tpu.memory_space<vmem>>, vector<1x16xf32>,
        %get3A_204 = arith.index_cast %mul3A_90 : i32 to index
        %get3A_205 = arith.constant 80 : index
        %get3A_206 = tpu.vector_load %arg6[%get3A_204, %get3A_205] {strides = array<i32>} : memref<144x128xf32, #tpu.memory_space<vmem>>, vector<1x16xf32>,
        %get3A_207 = vector.shape_cast %get3A_206 : vector<1x16xf32> to vector<16xf32>
        %add3A_208 = arith.constant 1 : i32
        %add3A_209 = arith.addi %mul3A_90, %add3A_208 : i32
        %get3A_210 = arith.index_cast %add3A_209 : i32 to index
        %get3A_211 = arith.constant 80 : index
        %get3A_212 = tpu.vector_load %arg6[%get3A_210, %get3A_211] {strides = array<i32>} : memref<144x128xf32, #tpu.memory_space<vmem>>, vector<1x16xf32>,
        %get3A_213 = vector.shape_cast %get3A_212 : vector<1x16xf32> to vector<16xf32>
        %add3A_214 = arith.addf %get3A_207, %get3A_213 : vector<16xf32>
        %add3A_215 = arith.constant 2 : i32
        %add3A_216 = arith.addi %mul3A_90, %add3A_215 : i32
        %get3A_217 = arith.index_cast %add3A_216 : i32 to index
        %get3A_218 = arith.constant 80 : index
        %get3A_219 = tpu.vector_load %arg6[%get3A_217, %get3A_218] {strides = array<i32>} : memref<144x128xf32, #tpu.memory_space<vmem>>, vector<1x16xf32>,
        %get3A_220 = vector.shape_cast %get3A_219 : vector<1x16xf32> to vector<16xf32>
        %add3A_221 = arith.addf %add3A_214, %get3A_220 : vector<16xf32>
        %swap3A_222 = arith.index_cast %scan3A_88 : i32 to index
        %swap3A_223 = arith.constant 80 : index
        %swap3A_224 = tpu.vector_load %arg8[%swap3A_222, %swap3A_223] {strides = array<i32>} : memref<48x128xf32, #tpu.memory_space<vmem>>, vector<1x16xf32>,
        %swap3A_225 = vector.shape_cast %swap3A_224 : vector<1x16xf32> to vector<16xf32>
        %swap3A_226 = vector.shape_cast %add3A_221 : vector<16xf32> to vector<1x16xf32>
        tpu.vector_store %arg8[%swap3A_222, %swap3A_223], %swap3A_226 {strides = array<i32>} : memref<48x128xf32, #tpu.memory_space<vmem>>, vector<1x16xf32>,
        %get3A_227 = arith.index_cast %mul3A_90 : i32 to index
        %get3A_228 = arith.constant 96 : index
        %get3A_229 = tpu.vector_load %arg6[%get3A_227, %get3A_228] {strides = array<i32>} : memref<144x128xf32, #tpu.memory_space<vmem>>, vector<1x16xf32>,
        %get3A_230 = vector.shape_cast %get3A_229 : vector<1x16xf32> to vector<16xf32>
        %add3A_231 = arith.constant 1 : i32
        %add3A_232 = arith.addi %mul3A_90, %add3A_231 : i32
        %get3A_233 = arith.index_cast %add3A_232 : i32 to index
        %get3A_234 = arith.constant 96 : index
        %get3A_235 = tpu.vector_load %arg6[%get3A_233, %get3A_234] {strides = array<i32>} : memref<144x128xf32, #tpu.memory_space<vmem>>, vector<1x16xf32>,
        %get3A_236 = vector.shape_cast %get3A_235 : vector<1x16xf32> to vector<16xf32>
        %add3A_237 = arith.addf %get3A_230, %get3A_236 : vector<16xf32>
        %add3A_238 = arith.constant 2 : i32
        %add3A_239 = arith.addi %mul3A_90, %add3A_238 : i32
        %get3A_240 = arith.index_cast %add3A_239 : i32 to index
        %get3A_241 = arith.constant 96 : index
        %get3A_242 = tpu.vector_load %arg6[%get3A_240, %get3A_241] {strides = array<i32>} : memref<144x128xf32, #tpu.memory_space<vmem>>, vector<1x16xf32>,
        %get3A_243 = vector.shape_cast %get3A_242 : vector<1x16xf32> to vector<16xf32>
        %add3A_244 = arith.addf %add3A_237, %get3A_243 : vector<16xf32>
        %swap3A_245 = arith.index_cast %scan3A_88 : i32 to index
        %swap3A_246 = arith.constant 96 : index
        %swap3A_247 = tpu.vector_load %arg8[%swap3A_245, %swap3A_246] {strides = array<i32>} : memref<48x128xf32, #tpu.memory_space<vmem>>, vector<1x16xf32>,
        %swap3A_248 = vector.shape_cast %swap3A_247 : vector<1x16xf32> to vector<16xf32>
        %swap3A_249 = vector.shape_cast %add3A_244 : vector<16xf32> to vector<1x16xf32>
        tpu.vector_store %arg8[%swap3A_245, %swap3A_246], %swap3A_249 {strides = array<i32>} : memref<48x128xf32, #tpu.memory_space<vmem>>, vector<1x16xf32>,
        %get3A_250 = arith.index_cast %mul3A_90 : i32 to index
        %get3A_251 = arith.constant 112 : index
        %get3A_252 = tpu.vector_load %arg6[%get3A_250, %get3A_251] {strides = array<i32>} : memref<144x128xf32, #tpu.memory_space<vmem>>, vector<1x16xf32>,
        %get3A_253 = vector.shape_cast %get3A_252 : vector<1x16xf32> to vector<16xf32>
        %add3A_254 = arith.constant 1 : i32
        %add3A_255 = arith.addi %mul3A_90, %add3A_254 : i32
        %get3A_256 = arith.index_cast %add3A_255 : i32 to index
        %get3A_257 = arith.constant 112 : index
        %get3A_258 = tpu.vector_load %arg6[%get3A_256, %get3A_257] {strides = array<i32>} : memref<144x128xf32, #tpu.memory_space<vmem>>, vector<1x16xf32>,
        %get3A_259 = vector.shape_cast %get3A_258 : vector<1x16xf32> to vector<16xf32>
        %add3A_260 = arith.addf %get3A_253, %get3A_259 : vector<16xf32>
        %add3A_261 = arith.constant 2 : i32
        %add3A_262 = arith.addi %mul3A_90, %add3A_261 : i32
        %get3A_263 = arith.index_cast %add3A_262 : i32 to index
        %get3A_264 = arith.constant 112 : index
        %get3A_265 = tpu.vector_load %arg6[%get3A_263, %get3A_264] {strides = array<i32>} : memref<144x128xf32, #tpu.memory_space<vmem>>, vector<1x16xf32>,
        %get3A_266 = vector.shape_cast %get3A_265 : vector<1x16xf32> to vector<16xf32>
        %add3A_267 = arith.addf %add3A_260, %get3A_266 : vector<16xf32>
        %swap3A_268 = arith.index_cast %scan3A_88 : i32 to index
        %swap3A_269 = arith.constant 112 : index
        %swap3A_270 = tpu.vector_load %arg8[%swap3A_268, %swap3A_269] {strides = array<i32>} : memref<48x128xf32, #tpu.memory_space<vmem>>, vector<1x16xf32>,
        %swap3A_271 = vector.shape_cast %swap3A_270 : vector<1x16xf32> to vector<16xf32>
        %swap3A_272 = vector.shape_cast %add3A_267 : vector<16xf32> to vector<1x16xf32>
        tpu.vector_store %arg8[%swap3A_268, %swap3A_269], %swap3A_272 {strides = array<i32>} : memref<48x128xf32, #tpu.memory_space<vmem>>, vector<1x16xf32>,
      }
      %scan3A_40 = arith.constant 48 : i32
      %mul3A_41 = arith.constant 66 : i32
      %mul3A_42 = arith.muli %add3A, %mul3A_41 : i32
      %add3A_43 = arith.addi %mul3A_42, %add3A_20 : i32
      %mul3A_44 = arith.constant 48 : i32
      %mul3A_45 = arith.muli %add3A_43, %mul3A_44 : i32
      %dma_start3A_46 = arith.constant 0 : i32
      %dma_start3A_47 = tpu.memref_slice %arg4[%mul3A_45, %dma_start3A_46] : memref<101376x128xf32, #tpu.memory_space<hbm>> -> memref<48x128xf32, #tpu.memory_space<hbm>>
      %dma_start3A_48 = arith.constant 0 : i32
      %dma_start3A_49 = tpu.memref_slice %arg4[%mul3A_45, %dma_start3A_48] : memref<101376x128xf32, #tpu.memory_space<hbm>> -> memref<48x128xf32, #tpu.memory_space<hbm>>
      tpu.enqueue_dma source(%arg8 : memref<48x128xf32, #tpu.memory_space<vmem>>) target(%dma_start3A_49 : memref<48x128xf32, #tpu.memory_space<hbm>>) target_semaphore(%arg11 : memref<!tpu.dma_semaphore, #tpu.memory_space<semaphore_mem>>)
      %mul3A_50 = arith.constant 2 : i32
      %mul3A_51 = arith.muli %mul3A_50, %scan3A_16 : i32
      %add3A_52 = arith.constant 1 : i32
      %add3A_53 = arith.addi %mul3A_51, %add3A_52 : i32
      %add3A_54 = arith.constant 2 : i32
      %add3A_55 = arith.addi %add3A_53, %add3A_54 : i32
      %sub3A_56 = arith.constant 1 : i32
      %sub3A_57 = arith.subi %add3A_55, %sub3A_56 : i32
      %lt3A_58 = arith.constant 66 : i32
      %lt3A_59 = arith.cmpi slt, %sub3A_57, %lt3A_58 : i32
      %convert_element_type3A_60 = arith.extui %lt3A_59 : i1 to i32
      %cond3A_61 = arith.constant 0 : i32
      %cond3A_62 = arith.cmpi ne, %convert_element_type3A_60, %cond3A_61 : i32
      scf.if %cond3A_62 {
        %add3A_88 = arith.constant 2 : i32
        %add3A_89 = arith.addi %add3A_53, %add3A_88 : i32
        %sub3A_90 = arith.constant 1 : i32
        %sub3A_91 = arith.subi %add3A_89, %sub3A_90 : i32
        %mul3A_92 = arith.constant 3 : i32
        %mul3A_93 = arith.muli %sub3A_91, %mul3A_92 : i32
        %mul3A_94 = arith.constant 48 : i32
        %mul3A_95 = arith.muli %mul3A_93, %mul3A_94 : i32
        %dma_start3A_96 = tpu.memref_slice %arg5[%mul3A_95] : memref<9504xi32, #tpu.memory_space<vmem>> -> memref<144xi32, #tpu.memory_space<vmem>>
        %dma_start3A_97 = arith.constant 0 : i32
        %dma_start3A_98 = arith.constant 0 : i32
        %dma_start3A_99 = tpu.memref_slice %arg2[%dma_start3A_97, %dma_start3A_98] : memref<200000x128xf32, #tpu.memory_space<hbm>> -> memref<200000x128xf32, #tpu.memory_space<hbm>>
        tpu.enqueue_indirect_dma source(%dma_start3A_99 : memref<200000x128xf32, #tpu.memory_space<hbm>>) target(%arg6 : memref<144x128xf32, #tpu.memory_space<vmem>>) offsets(%dma_start3A_96 : memref<144xi32, #tpu.memory_space<vmem>>) semaphore(%arg9 : memref<!tpu.dma_semaphore, #tpu.memory_space<semaphore_mem>>)
      } else {
      }
      %dma_wait3A_63 = arith.constant 0 : i32
      %dma_wait3A_64 = arith.constant 0 : i32
      %dma_wait3A_65 = tpu.memref_slice %arg2[%dma_wait3A_63, %dma_wait3A_64] : memref<200000x128xf32, #tpu.memory_space<hbm>> -> memref<144x128xf32, #tpu.memory_space<hbm>>
      %dma_wait3A_66 = arith.constant 0 : i32
      %dma_wait3A_67 = arith.constant 0 : i32
      %dma_wait3A_68 = tpu.memref_slice %arg2[%dma_wait3A_66, %dma_wait3A_67] : memref<200000x128xf32, #tpu.memory_space<hbm>> -> memref<144x128xf32, #tpu.memory_space<hbm>>
      tpu.wait_dma2 semaphore(%arg10 : memref<!tpu.dma_semaphore, #tpu.memory_space<semaphore_mem>>) src(%dma_wait3A_68 : memref<144x128xf32, #tpu.memory_space<hbm>>) dst(%arg7 : memref<144x128xf32, #tpu.memory_space<vmem>>)
      %ge3A_69 = arith.constant 1 : i32
      %ge3A_70 = arith.cmpi sge, %add3A_53, %ge3A_69 : i32
      %convert_element_type3A_71 = arith.extui %ge3A_70 : i1 to i32
      %cond3A_72 = arith.constant 0 : i32
      %cond3A_73 = arith.cmpi ne, %convert_element_type3A_71, %cond3A_72 : i32
      scf.if %cond3A_73 {
        %dma_wait3A_88 = arith.constant 0 : i32
        %dma_wait3A_89 = arith.constant 0 : i32
        %dma_wait3A_90 = tpu.memref_slice %arg4[%dma_wait3A_88, %dma_wait3A_89] : memref<101376x128xf32, #tpu.memory_space<hbm>> -> memref<48x128xf32, #tpu.memory_space<hbm>>
        %dma_wait3A_91 = arith.constant 0 : i32
        %dma_wait3A_92 = arith.constant 0 : i32
        %dma_wait3A_93 = tpu.memref_slice %arg4[%dma_wait3A_91, %dma_wait3A_92] : memref<101376x128xf32, #tpu.memory_space<hbm>> -> memref<48x128xf32, #tpu.memory_space<hbm>>
        tpu.wait_dma2 semaphore(%arg11 : memref<!tpu.dma_semaphore, #tpu.memory_space<semaphore_mem>>) src(%arg8 : memref<48x128xf32, #tpu.memory_space<vmem>>) dst(%dma_wait3A_93 : memref<48x128xf32, #tpu.memory_space<hbm>>)
      } else {
      }
      %scan3A_74 = arith.constant 0 : i32
      %scan3A_75 = arith.constant 48 : i32
      %scan3A_76 = arith.addi %scan3A_74, %scan3A_75 : i32
      %scan3A_77 = arith.constant 1 : i32
      scf.for %scan3A_88 = %scan3A_74 to %scan3A_76 step %scan3A_77  : i32 {
        %mul3A_89 = arith.constant 3 : i32
        %mul3A_90 = arith.muli %scan3A_88, %mul3A_89 : i32
        %get3A = arith.index_cast %mul3A_90 : i32 to index
        %get3A_91 = arith.constant 0 : index
        %get3A_92 = tpu.vector_load %arg7[%get3A, %get3A_91] {strides = array<i32>} : memref<144x128xf32, #tpu.memory_space<vmem>>, vector<1x16xf32>,
        %get3A_93 = vector.shape_cast %get3A_92 : vector<1x16xf32> to vector<16xf32>
        %add3A_94 = arith.constant 1 : i32
        %add3A_95 = arith.addi %mul3A_90, %add3A_94 : i32
        %get3A_96 = arith.index_cast %add3A_95 : i32 to index
        %get3A_97 = arith.constant 0 : index
        %get3A_98 = tpu.vector_load %arg7[%get3A_96, %get3A_97] {strides = array<i32>} : memref<144x128xf32, #tpu.memory_space<vmem>>, vector<1x16xf32>,
        %get3A_99 = vector.shape_cast %get3A_98 : vector<1x16xf32> to vector<16xf32>
        %add3A_100 = arith.addf %get3A_93, %get3A_99 : vector<16xf32>
        %add3A_101 = arith.constant 2 : i32
        %add3A_102 = arith.addi %mul3A_90, %add3A_101 : i32
        %get3A_103 = arith.index_cast %add3A_102 : i32 to index
        %get3A_104 = arith.constant 0 : index
        %get3A_105 = tpu.vector_load %arg7[%get3A_103, %get3A_104] {strides = array<i32>} : memref<144x128xf32, #tpu.memory_space<vmem>>, vector<1x16xf32>,
        %get3A_106 = vector.shape_cast %get3A_105 : vector<1x16xf32> to vector<16xf32>
        %add3A_107 = arith.addf %add3A_100, %get3A_106 : vector<16xf32>
        %swap3A = arith.index_cast %scan3A_88 : i32 to index
        %swap3A_108 = arith.constant 0 : index
        %swap3A_109 = tpu.vector_load %arg8[%swap3A, %swap3A_108] {strides = array<i32>} : memref<48x128xf32, #tpu.memory_space<vmem>>, vector<1x16xf32>,
        %swap3A_110 = vector.shape_cast %swap3A_109 : vector<1x16xf32> to vector<16xf32>
        %swap3A_111 = vector.shape_cast %add3A_107 : vector<16xf32> to vector<1x16xf32>
        tpu.vector_store %arg8[%swap3A, %swap3A_108], %swap3A_111 {strides = array<i32>} : memref<48x128xf32, #tpu.memory_space<vmem>>, vector<1x16xf32>,
        %get3A_112 = arith.index_cast %mul3A_90 : i32 to index
        %get3A_113 = arith.constant 16 : index
        %get3A_114 = tpu.vector_load %arg7[%get3A_112, %get3A_113] {strides = array<i32>} : memref<144x128xf32, #tpu.memory_space<vmem>>, vector<1x16xf32>,
        %get3A_115 = vector.shape_cast %get3A_114 : vector<1x16xf32> to vector<16xf32>
        %add3A_116 = arith.constant 1 : i32
        %add3A_117 = arith.addi %mul3A_90, %add3A_116 : i32
        %get3A_118 = arith.index_cast %add3A_117 : i32 to index
        %get3A_119 = arith.constant 16 : index
        %get3A_120 = tpu.vector_load %arg7[%get3A_118, %get3A_119] {strides = array<i32>} : memref<144x128xf32, #tpu.memory_space<vmem>>, vector<1x16xf32>,
        %get3A_121 = vector.shape_cast %get3A_120 : vector<1x16xf32> to vector<16xf32>
        %add3A_122 = arith.addf %get3A_115, %get3A_121 : vector<16xf32>
        %add3A_123 = arith.constant 2 : i32
        %add3A_124 = arith.addi %mul3A_90, %add3A_123 : i32
        %get3A_125 = arith.index_cast %add3A_124 : i32 to index
        %get3A_126 = arith.constant 16 : index
        %get3A_127 = tpu.vector_load %arg7[%get3A_125, %get3A_126] {strides = array<i32>} : memref<144x128xf32, #tpu.memory_space<vmem>>, vector<1x16xf32>,
        %get3A_128 = vector.shape_cast %get3A_127 : vector<1x16xf32> to vector<16xf32>
        %add3A_129 = arith.addf %add3A_122, %get3A_128 : vector<16xf32>
        %swap3A_130 = arith.index_cast %scan3A_88 : i32 to index
        %swap3A_131 = arith.constant 16 : index
        %swap3A_132 = tpu.vector_load %arg8[%swap3A_130, %swap3A_131] {strides = array<i32>} : memref<48x128xf32, #tpu.memory_space<vmem>>, vector<1x16xf32>,
        %swap3A_133 = vector.shape_cast %swap3A_132 : vector<1x16xf32> to vector<16xf32>
        %swap3A_134 = vector.shape_cast %add3A_129 : vector<16xf32> to vector<1x16xf32>
        tpu.vector_store %arg8[%swap3A_130, %swap3A_131], %swap3A_134 {strides = array<i32>} : memref<48x128xf32, #tpu.memory_space<vmem>>, vector<1x16xf32>,
        %get3A_135 = arith.index_cast %mul3A_90 : i32 to index
        %get3A_136 = arith.constant 32 : index
        %get3A_137 = tpu.vector_load %arg7[%get3A_135, %get3A_136] {strides = array<i32>} : memref<144x128xf32, #tpu.memory_space<vmem>>, vector<1x16xf32>,
        %get3A_138 = vector.shape_cast %get3A_137 : vector<1x16xf32> to vector<16xf32>
        %add3A_139 = arith.constant 1 : i32
        %add3A_140 = arith.addi %mul3A_90, %add3A_139 : i32
        %get3A_141 = arith.index_cast %add3A_140 : i32 to index
        %get3A_142 = arith.constant 32 : index
        %get3A_143 = tpu.vector_load %arg7[%get3A_141, %get3A_142] {strides = array<i32>} : memref<144x128xf32, #tpu.memory_space<vmem>>, vector<1x16xf32>,
        %get3A_144 = vector.shape_cast %get3A_143 : vector<1x16xf32> to vector<16xf32>
        %add3A_145 = arith.addf %get3A_138, %get3A_144 : vector<16xf32>
        %add3A_146 = arith.constant 2 : i32
        %add3A_147 = arith.addi %mul3A_90, %add3A_146 : i32
        %get3A_148 = arith.index_cast %add3A_147 : i32 to index
        %get3A_149 = arith.constant 32 : index
        %get3A_150 = tpu.vector_load %arg7[%get3A_148, %get3A_149] {strides = array<i32>} : memref<144x128xf32, #tpu.memory_space<vmem>>, vector<1x16xf32>,
        %get3A_151 = vector.shape_cast %get3A_150 : vector<1x16xf32> to vector<16xf32>
        %add3A_152 = arith.addf %add3A_145, %get3A_151 : vector<16xf32>
        %swap3A_153 = arith.index_cast %scan3A_88 : i32 to index
        %swap3A_154 = arith.constant 32 : index
        %swap3A_155 = tpu.vector_load %arg8[%swap3A_153, %swap3A_154] {strides = array<i32>} : memref<48x128xf32, #tpu.memory_space<vmem>>, vector<1x16xf32>,
        %swap3A_156 = vector.shape_cast %swap3A_155 : vector<1x16xf32> to vector<16xf32>
        %swap3A_157 = vector.shape_cast %add3A_152 : vector<16xf32> to vector<1x16xf32>
        tpu.vector_store %arg8[%swap3A_153, %swap3A_154], %swap3A_157 {strides = array<i32>} : memref<48x128xf32, #tpu.memory_space<vmem>>, vector<1x16xf32>,
        %get3A_158 = arith.index_cast %mul3A_90 : i32 to index
        %get3A_159 = arith.constant 48 : index
        %get3A_160 = tpu.vector_load %arg7[%get3A_158, %get3A_159] {strides = array<i32>} : memref<144x128xf32, #tpu.memory_space<vmem>>, vector<1x16xf32>,
        %get3A_161 = vector.shape_cast %get3A_160 : vector<1x16xf32> to vector<16xf32>
        %add3A_162 = arith.constant 1 : i32
        %add3A_163 = arith.addi %mul3A_90, %add3A_162 : i32
        %get3A_164 = arith.index_cast %add3A_163 : i32 to index
        %get3A_165 = arith.constant 48 : index
        %get3A_166 = tpu.vector_load %arg7[%get3A_164, %get3A_165] {strides = array<i32>} : memref<144x128xf32, #tpu.memory_space<vmem>>, vector<1x16xf32>,
        %get3A_167 = vector.shape_cast %get3A_166 : vector<1x16xf32> to vector<16xf32>
        %add3A_168 = arith.addf %get3A_161, %get3A_167 : vector<16xf32>
        %add3A_169 = arith.constant 2 : i32
        %add3A_170 = arith.addi %mul3A_90, %add3A_169 : i32
        %get3A_171 = arith.index_cast %add3A_170 : i32 to index
        %get3A_172 = arith.constant 48 : index
        %get3A_173 = tpu.vector_load %arg7[%get3A_171, %get3A_172] {strides = array<i32>} : memref<144x128xf32, #tpu.memory_space<vmem>>, vector<1x16xf32>,
        %get3A_174 = vector.shape_cast %get3A_173 : vector<1x16xf32> to vector<16xf32>
        %add3A_175 = arith.addf %add3A_168, %get3A_174 : vector<16xf32>
        %swap3A_176 = arith.index_cast %scan3A_88 : i32 to index
        %swap3A_177 = arith.constant 48 : index
        %swap3A_178 = tpu.vector_load %arg8[%swap3A_176, %swap3A_177] {strides = array<i32>} : memref<48x128xf32, #tpu.memory_space<vmem>>, vector<1x16xf32>,
        %swap3A_179 = vector.shape_cast %swap3A_178 : vector<1x16xf32> to vector<16xf32>
        %swap3A_180 = vector.shape_cast %add3A_175 : vector<16xf32> to vector<1x16xf32>
        tpu.vector_store %arg8[%swap3A_176, %swap3A_177], %swap3A_180 {strides = array<i32>} : memref<48x128xf32, #tpu.memory_space<vmem>>, vector<1x16xf32>,
        %get3A_181 = arith.index_cast %mul3A_90 : i32 to index
        %get3A_182 = arith.constant 64 : index
        %get3A_183 = tpu.vector_load %arg7[%get3A_181, %get3A_182] {strides = array<i32>} : memref<144x128xf32, #tpu.memory_space<vmem>>, vector<1x16xf32>,
        %get3A_184 = vector.shape_cast %get3A_183 : vector<1x16xf32> to vector<16xf32>
        %add3A_185 = arith.constant 1 : i32
        %add3A_186 = arith.addi %mul3A_90, %add3A_185 : i32
        %get3A_187 = arith.index_cast %add3A_186 : i32 to index
        %get3A_188 = arith.constant 64 : index
        %get3A_189 = tpu.vector_load %arg7[%get3A_187, %get3A_188] {strides = array<i32>} : memref<144x128xf32, #tpu.memory_space<vmem>>, vector<1x16xf32>,
        %get3A_190 = vector.shape_cast %get3A_189 : vector<1x16xf32> to vector<16xf32>
        %add3A_191 = arith.addf %get3A_184, %get3A_190 : vector<16xf32>
        %add3A_192 = arith.constant 2 : i32
        %add3A_193 = arith.addi %mul3A_90, %add3A_192 : i32
        %get3A_194 = arith.index_cast %add3A_193 : i32 to index
        %get3A_195 = arith.constant 64 : index
        %get3A_196 = tpu.vector_load %arg7[%get3A_194, %get3A_195] {strides = array<i32>} : memref<144x128xf32, #tpu.memory_space<vmem>>, vector<1x16xf32>,
        %get3A_197 = vector.shape_cast %get3A_196 : vector<1x16xf32> to vector<16xf32>
        %add3A_198 = arith.addf %add3A_191, %get3A_197 : vector<16xf32>
        %swap3A_199 = arith.index_cast %scan3A_88 : i32 to index
        %swap3A_200 = arith.constant 64 : index
        %swap3A_201 = tpu.vector_load %arg8[%swap3A_199, %swap3A_200] {strides = array<i32>} : memref<48x128xf32, #tpu.memory_space<vmem>>, vector<1x16xf32>,
        %swap3A_202 = vector.shape_cast %swap3A_201 : vector<1x16xf32> to vector<16xf32>
        %swap3A_203 = vector.shape_cast %add3A_198 : vector<16xf32> to vector<1x16xf32>
        tpu.vector_store %arg8[%swap3A_199, %swap3A_200], %swap3A_203 {strides = array<i32>} : memref<48x128xf32, #tpu.memory_space<vmem>>, vector<1x16xf32>,
        %get3A_204 = arith.index_cast %mul3A_90 : i32 to index
        %get3A_205 = arith.constant 80 : index
        %get3A_206 = tpu.vector_load %arg7[%get3A_204, %get3A_205] {strides = array<i32>} : memref<144x128xf32, #tpu.memory_space<vmem>>, vector<1x16xf32>,
        %get3A_207 = vector.shape_cast %get3A_206 : vector<1x16xf32> to vector<16xf32>
        %add3A_208 = arith.constant 1 : i32
        %add3A_209 = arith.addi %mul3A_90, %add3A_208 : i32
        %get3A_210 = arith.index_cast %add3A_209 : i32 to index
        %get3A_211 = arith.constant 80 : index
        %get3A_212 = tpu.vector_load %arg7[%get3A_210, %get3A_211] {strides = array<i32>} : memref<144x128xf32, #tpu.memory_space<vmem>>, vector<1x16xf32>,
        %get3A_213 = vector.shape_cast %get3A_212 : vector<1x16xf32> to vector<16xf32>
        %add3A_214 = arith.addf %get3A_207, %get3A_213 : vector<16xf32>
        %add3A_215 = arith.constant 2 : i32
        %add3A_216 = arith.addi %mul3A_90, %add3A_215 : i32
        %get3A_217 = arith.index_cast %add3A_216 : i32 to index
        %get3A_218 = arith.constant 80 : index
        %get3A_219 = tpu.vector_load %arg7[%get3A_217, %get3A_218] {strides = array<i32>} : memref<144x128xf32, #tpu.memory_space<vmem>>, vector<1x16xf32>,
        %get3A_220 = vector.shape_cast %get3A_219 : vector<1x16xf32> to vector<16xf32>
        %add3A_221 = arith.addf %add3A_214, %get3A_220 : vector<16xf32>
        %swap3A_222 = arith.index_cast %scan3A_88 : i32 to index
        %swap3A_223 = arith.constant 80 : index
        %swap3A_224 = tpu.vector_load %arg8[%swap3A_222, %swap3A_223] {strides = array<i32>} : memref<48x128xf32, #tpu.memory_space<vmem>>, vector<1x16xf32>,
        %swap3A_225 = vector.shape_cast %swap3A_224 : vector<1x16xf32> to vector<16xf32>
        %swap3A_226 = vector.shape_cast %add3A_221 : vector<16xf32> to vector<1x16xf32>
        tpu.vector_store %arg8[%swap3A_222, %swap3A_223], %swap3A_226 {strides = array<i32>} : memref<48x128xf32, #tpu.memory_space<vmem>>, vector<1x16xf32>,
        %get3A_227 = arith.index_cast %mul3A_90 : i32 to index
        %get3A_228 = arith.constant 96 : index
        %get3A_229 = tpu.vector_load %arg7[%get3A_227, %get3A_228] {strides = array<i32>} : memref<144x128xf32, #tpu.memory_space<vmem>>, vector<1x16xf32>,
        %get3A_230 = vector.shape_cast %get3A_229 : vector<1x16xf32> to vector<16xf32>
        %add3A_231 = arith.constant 1 : i32
        %add3A_232 = arith.addi %mul3A_90, %add3A_231 : i32
        %get3A_233 = arith.index_cast %add3A_232 : i32 to index
        %get3A_234 = arith.constant 96 : index
        %get3A_235 = tpu.vector_load %arg7[%get3A_233, %get3A_234] {strides = array<i32>} : memref<144x128xf32, #tpu.memory_space<vmem>>, vector<1x16xf32>,
        %get3A_236 = vector.shape_cast %get3A_235 : vector<1x16xf32> to vector<16xf32>
        %add3A_237 = arith.addf %get3A_230, %get3A_236 : vector<16xf32>
        %add3A_238 = arith.constant 2 : i32
        %add3A_239 = arith.addi %mul3A_90, %add3A_238 : i32
        %get3A_240 = arith.index_cast %add3A_239 : i32 to index
        %get3A_241 = arith.constant 96 : index
        %get3A_242 = tpu.vector_load %arg7[%get3A_240, %get3A_241] {strides = array<i32>} : memref<144x128xf32, #tpu.memory_space<vmem>>, vector<1x16xf32>,
        %get3A_243 = vector.shape_cast %get3A_242 : vector<1x16xf32> to vector<16xf32>
        %add3A_244 = arith.addf %add3A_237, %get3A_243 : vector<16xf32>
        %swap3A_245 = arith.index_cast %scan3A_88 : i32 to index
        %swap3A_246 = arith.constant 96 : index
        %swap3A_247 = tpu.vector_load %arg8[%swap3A_245, %swap3A_246] {strides = array<i32>} : memref<48x128xf32, #tpu.memory_space<vmem>>, vector<1x16xf32>,
        %swap3A_248 = vector.shape_cast %swap3A_247 : vector<1x16xf32> to vector<16xf32>
        %swap3A_249 = vector.shape_cast %add3A_244 : vector<16xf32> to vector<1x16xf32>
        tpu.vector_store %arg8[%swap3A_245, %swap3A_246], %swap3A_249 {strides = array<i32>} : memref<48x128xf32, #tpu.memory_space<vmem>>, vector<1x16xf32>,
        %get3A_250 = arith.index_cast %mul3A_90 : i32 to index
        %get3A_251 = arith.constant 112 : index
        %get3A_252 = tpu.vector_load %arg7[%get3A_250, %get3A_251] {strides = array<i32>} : memref<144x128xf32, #tpu.memory_space<vmem>>, vector<1x16xf32>,
        %get3A_253 = vector.shape_cast %get3A_252 : vector<1x16xf32> to vector<16xf32>
        %add3A_254 = arith.constant 1 : i32
        %add3A_255 = arith.addi %mul3A_90, %add3A_254 : i32
        %get3A_256 = arith.index_cast %add3A_255 : i32 to index
        %get3A_257 = arith.constant 112 : index
        %get3A_258 = tpu.vector_load %arg7[%get3A_256, %get3A_257] {strides = array<i32>} : memref<144x128xf32, #tpu.memory_space<vmem>>, vector<1x16xf32>,
        %get3A_259 = vector.shape_cast %get3A_258 : vector<1x16xf32> to vector<16xf32>
        %add3A_260 = arith.addf %get3A_253, %get3A_259 : vector<16xf32>
        %add3A_261 = arith.constant 2 : i32
        %add3A_262 = arith.addi %mul3A_90, %add3A_261 : i32
        %get3A_263 = arith.index_cast %add3A_262 : i32 to index
        %get3A_264 = arith.constant 112 : index
        %get3A_265 = tpu.vector_load %arg7[%get3A_263, %get3A_264] {strides = array<i32>} : memref<144x128xf32, #tpu.memory_space<vmem>>, vector<1x16xf32>,
        %get3A_266 = vector.shape_cast %get3A_265 : vector<1x16xf32> to vector<16xf32>
        %add3A_267 = arith.addf %add3A_260, %get3A_266 : vector<16xf32>
        %swap3A_268 = arith.index_cast %scan3A_88 : i32 to index
        %swap3A_269 = arith.constant 112 : index
        %swap3A_270 = tpu.vector_load %arg8[%swap3A_268, %swap3A_269] {strides = array<i32>} : memref<48x128xf32, #tpu.memory_space<vmem>>, vector<1x16xf32>,
        %swap3A_271 = vector.shape_cast %swap3A_270 : vector<1x16xf32> to vector<16xf32>
        %swap3A_272 = vector.shape_cast %add3A_267 : vector<16xf32> to vector<1x16xf32>
        tpu.vector_store %arg8[%swap3A_268, %swap3A_269], %swap3A_272 {strides = array<i32>} : memref<48x128xf32, #tpu.memory_space<vmem>>, vector<1x16xf32>,
      }
      %scan3A_78 = arith.constant 48 : i32
      %mul3A_79 = arith.constant 66 : i32
      %mul3A_80 = arith.muli %add3A, %mul3A_79 : i32
      %add3A_81 = arith.addi %mul3A_80, %add3A_53 : i32
      %mul3A_82 = arith.constant 48 : i32
      %mul3A_83 = arith.muli %add3A_81, %mul3A_82 : i32
      %dma_start3A_84 = arith.constant 0 : i32
      %dma_start3A_85 = tpu.memref_slice %arg4[%mul3A_83, %dma_start3A_84] : memref<101376x128xf32, #tpu.memory_space<hbm>> -> memref<48x128xf32, #tpu.memory_space<hbm>>
      %dma_start3A_86 = arith.constant 0 : i32
      %dma_start3A_87 = tpu.memref_slice %arg4[%mul3A_83, %dma_start3A_86] : memref<101376x128xf32, #tpu.memory_space<hbm>> -> memref<48x128xf32, #tpu.memory_space<hbm>>
      tpu.enqueue_dma source(%arg8 : memref<48x128xf32, #tpu.memory_space<vmem>>) target(%dma_start3A_87 : memref<48x128xf32, #tpu.memory_space<hbm>>) target_semaphore(%arg11 : memref<!tpu.dma_semaphore, #tpu.memory_space<semaphore_mem>>)
    }
    %scan3A_10 = arith.constant 33 : i32
    %dma_wait3A = arith.constant 0 : i32
    %dma_wait3A_11 = arith.constant 0 : i32
    %dma_wait3A_12 = tpu.memref_slice %arg4[%dma_wait3A, %dma_wait3A_11] : memref<101376x128xf32, #tpu.memory_space<hbm>> -> memref<48x128xf32, #tpu.memory_space<hbm>>
    %dma_wait3A_13 = arith.constant 0 : i32
    %dma_wait3A_14 = arith.constant 0 : i32
    %dma_wait3A_15 = tpu.memref_slice %arg4[%dma_wait3A_13, %dma_wait3A_14] : memref<101376x128xf32, #tpu.memory_space<hbm>> -> memref<48x128xf32, #tpu.memory_space<hbm>>
    tpu.wait_dma2 semaphore(%arg11 : memref<!tpu.dma_semaphore, #tpu.memory_space<semaphore_mem>>) src(%arg8 : memref<48x128xf32, #tpu.memory_space<vmem>>) dst(%dma_wait3A_15 : memref<48x128xf32, #tpu.memory_space<hbm>>)
    return
  }
}

#map = affine_map<(d0, d1) -> (0, 0)>
#map1 = affine_map<(d0, d1) -> (0)>
module attributes {stable_mosaic.version = 14 : i64} {
  func.func @sc_kernel(%arg0: i32, %arg1: i32, %arg2: memref<200000x128xf32, #tpu.memory_space<hbm>>, %arg3: memref<304128xi32, #tpu.memory_space<hbm>>, %arg4: memref<101376x128xf32, #tpu.memory_space<hbm>>, %arg5: memref<9504xi32, #tpu.memory_space<vmem>>, %arg6: memref<144x128xf32, #tpu.memory_space<vmem>>, %arg7: memref<144x128xf32, #tpu.memory_space<vmem>>, %arg8: memref<48x128xf32, #tpu.memory_space<vmem>>, %arg9: memref<!tpu.dma_semaphore, #tpu.memory_space<semaphore_mem>>, %arg10: memref<!tpu.dma_semaphore, #tpu.memory_space<semaphore_mem>>, %arg11: memref<!tpu.dma_semaphore, #tpu.memory_space<semaphore_mem>>) attributes {dimension_semantics = [#tpu.dimension_semantics<core_parallel>, #tpu.dimension_semantics<subcore_parallel>], iteration_bounds = array<i64: 2, 16>, scalar_prefetch = 0 : i64, scratch_operands = 7 : i64, tpu.core_type = #tpu.core_type<sc_vector_subcore>, window_params = [{transform_indices = #map}, {transform_indices = #map1}, {transform_indices = #map}]} {
    %mul3A = arith.constant 2 : i32
    %mul3A_0 = arith.muli %arg1, %mul3A : i32
    %add3A = arith.addi %mul3A_0, %arg0 : i32
    %mul3A_1 = arith.constant 9504 : i32
    %mul3A_2 = arith.muli %add3A, %mul3A_1 : i32
    "tpu.region"() ({
      %run_scoped3A = tpu.sem_alloc : memref<!tpu.dma_semaphore, #tpu.memory_space<semaphore_mem>>
      %dma_start3A_16 = tpu.memref_slice %arg3[%mul3A_2] : memref<304128xi32, #tpu.memory_space<hbm>> -> memref<9504xi32, #tpu.memory_space<hbm>>
      %dma_start3A_17 = tpu.memref_slice %arg3[%mul3A_2] : memref<304128xi32, #tpu.memory_space<hbm>> -> memref<9504xi32, #tpu.memory_space<hbm>>
      tpu.enqueue_dma source(%dma_start3A_17 : memref<9504xi32, #tpu.memory_space<hbm>>) target(%arg5 : memref<9504xi32, #tpu.memory_space<vmem>>) target_semaphore(%run_scoped3A : memref<!tpu.dma_semaphore, #tpu.memory_space<semaphore_mem>>)
      %dma_wait3A_18 = tpu.memref_slice %arg3[%mul3A_2] : memref<304128xi32, #tpu.memory_space<hbm>> -> memref<9504xi32, #tpu.memory_space<hbm>>
      %dma_wait3A_19 = tpu.memref_slice %arg3[%mul3A_2] : memref<304128xi32, #tpu.memory_space<hbm>> -> memref<9504xi32, #tpu.memory_space<hbm>>
      tpu.wait_dma2 semaphore(%run_scoped3A : memref<!tpu.dma_semaphore, #tpu.memory_space<semaphore_mem>>) src(%dma_wait3A_19 : memref<9504xi32, #tpu.memory_space<hbm>>) dst(%arg5 : memref<9504xi32, #tpu.memory_space<vmem>>)
      tpu.yield
    }) : () -> ()
    %dma_start3A = arith.constant 0 : i32
    %dma_start3A_3 = tpu.memref_slice %arg5[%dma_start3A] : memref<9504xi32, #tpu.memory_space<vmem>> -> memref<144xi32, #tpu.memory_space<vmem>>
    %dma_start3A_4 = arith.constant 0 : i32
    %dma_start3A_5 = arith.constant 0 : i32
    %dma_start3A_6 = tpu.memref_slice %arg2[%dma_start3A_4, %dma_start3A_5] : memref<200000x128xf32, #tpu.memory_space<hbm>> -> memref<200000x128xf32, #tpu.memory_space<hbm>>
    tpu.enqueue_indirect_dma source(%dma_start3A_6 : memref<200000x128xf32, #tpu.memory_space<hbm>>) target(%arg6 : memref<144x128xf32, #tpu.memory_space<vmem>>) offsets(%dma_start3A_3 : memref<144xi32, #tpu.memory_space<vmem>>) semaphore(%arg9 : memref<!tpu.dma_semaphore, #tpu.memory_space<semaphore_mem>>)
    %scan3A = arith.constant 0 : i32
    %scan3A_7 = arith.constant 33 : i32
    %scan3A_8 = arith.addi %scan3A, %scan3A_7 : i32
    %scan3A_9 = arith.constant 1 : i32
    scf.for %scan3A_16 = %scan3A to %scan3A_8 step %scan3A_9  : i32 {
      %mul3A_17 = arith.constant 2 : i32
      %mul3A_18 = arith.muli %mul3A_17, %scan3A_16 : i32
      %add3A_19 = arith.constant 0 : i32
      %add3A_20 = arith.addi %mul3A_18, %add3A_19 : i32
      %add3A_21 = arith.constant 2 : i32
      %add3A_22 = arith.addi %add3A_20, %add3A_21 : i32
      %sub3A = arith.constant 1 : i32
      %sub3A_23 = arith.subi %add3A_22, %sub3A : i32
      %lt3A = arith.constant 66 : i32
      %lt3A_24 = arith.cmpi slt, %sub3A_23, %lt3A : i32
      %convert_element_type3A = arith.extui %lt3A_24 : i1 to i32
      %cond3A = arith.constant 0 : i32
      %cond3A_25 = arith.cmpi ne, %convert_element_type3A, %cond3A : i32
      scf.if %cond3A_25 {
        %add3A_88 = arith.constant 2 : i32
        %add3A_89 = arith.addi %add3A_20, %add3A_88 : i32
        %sub3A_90 = arith.constant 1 : i32
        %sub3A_91 = arith.subi %add3A_89, %sub3A_90 : i32
        %mul3A_92 = arith.constant 3 : i32
        %mul3A_93 = arith.muli %sub3A_91, %mul3A_92 : i32
        %mul3A_94 = arith.constant 48 : i32
        %mul3A_95 = arith.muli %mul3A_93, %mul3A_94 : i32
        %dma_start3A_96 = tpu.memref_slice %arg5[%mul3A_95] : memref<9504xi32, #tpu.memory_space<vmem>> -> memref<144xi32, #tpu.memory_space<vmem>>
        %dma_start3A_97 = arith.constant 0 : i32
        %dma_start3A_98 = arith.constant 0 : i32
        %dma_start3A_99 = tpu.memref_slice %arg2[%dma_start3A_97, %dma_start3A_98] : memref<200000x128xf32, #tpu.memory_space<hbm>> -> memref<200000x128xf32, #tpu.memory_space<hbm>>
        tpu.enqueue_indirect_dma source(%dma_start3A_99 : memref<200000x128xf32, #tpu.memory_space<hbm>>) target(%arg7 : memref<144x128xf32, #tpu.memory_space<vmem>>) offsets(%dma_start3A_96 : memref<144xi32, #tpu.memory_space<vmem>>) semaphore(%arg10 : memref<!tpu.dma_semaphore, #tpu.memory_space<semaphore_mem>>)
      } else {
      }
      %dma_wait3A_26 = arith.constant 0 : i32
      %dma_wait3A_27 = arith.constant 0 : i32
      %dma_wait3A_28 = tpu.memref_slice %arg2[%dma_wait3A_26, %dma_wait3A_27] : memref<200000x128xf32, #tpu.memory_space<hbm>> -> memref<144x128xf32, #tpu.memory_space<hbm>>
      %dma_wait3A_29 = arith.constant 0 : i32
      %dma_wait3A_30 = arith.constant 0 : i32
      %dma_wait3A_31 = tpu.memref_slice %arg2[%dma_wait3A_29, %dma_wait3A_30] : memref<200000x128xf32, #tpu.memory_space<hbm>> -> memref<144x128xf32, #tpu.memory_space<hbm>>
      tpu.wait_dma2 semaphore(%arg9 : memref<!tpu.dma_semaphore, #tpu.memory_space<semaphore_mem>>) src(%dma_wait3A_31 : memref<144x128xf32, #tpu.memory_space<hbm>>) dst(%arg6 : memref<144x128xf32, #tpu.memory_space<vmem>>)
      %ge3A = arith.constant 1 : i32
      %ge3A_32 = arith.cmpi sge, %add3A_20, %ge3A : i32
      %convert_element_type3A_33 = arith.extui %ge3A_32 : i1 to i32
      %cond3A_34 = arith.constant 0 : i32
      %cond3A_35 = arith.cmpi ne, %convert_element_type3A_33, %cond3A_34 : i32
      scf.if %cond3A_35 {
        %dma_wait3A_88 = arith.constant 0 : i32
        %dma_wait3A_89 = arith.constant 0 : i32
        %dma_wait3A_90 = tpu.memref_slice %arg4[%dma_wait3A_88, %dma_wait3A_89] : memref<101376x128xf32, #tpu.memory_space<hbm>> -> memref<48x128xf32, #tpu.memory_space<hbm>>
        %dma_wait3A_91 = arith.constant 0 : i32
        %dma_wait3A_92 = arith.constant 0 : i32
        %dma_wait3A_93 = tpu.memref_slice %arg4[%dma_wait3A_91, %dma_wait3A_92] : memref<101376x128xf32, #tpu.memory_space<hbm>> -> memref<48x128xf32, #tpu.memory_space<hbm>>
        tpu.wait_dma2 semaphore(%arg11 : memref<!tpu.dma_semaphore, #tpu.memory_space<semaphore_mem>>) src(%arg8 : memref<48x128xf32, #tpu.memory_space<vmem>>) dst(%dma_wait3A_93 : memref<48x128xf32, #tpu.memory_space<hbm>>)
      } else {
      }
      %scan3A_36 = arith.constant 0 : i32
      %scan3A_37 = arith.constant 48 : i32
      %scan3A_38 = arith.addi %scan3A_36, %scan3A_37 : i32
      %scan3A_39 = arith.constant 1 : i32
      scf.for %scan3A_88 = %scan3A_36 to %scan3A_38 step %scan3A_39  : i32 {
        %mul3A_89 = arith.constant 3 : i32
        %mul3A_90 = arith.muli %scan3A_88, %mul3A_89 : i32
        %get3A = arith.index_cast %mul3A_90 : i32 to index
        %get3A_91 = arith.constant 0 : index
        %get3A_92 = tpu.vector_load %arg6[%get3A, %get3A_91] {strides = array<i32>} : memref<144x128xf32, #tpu.memory_space<vmem>>, vector<1x16xf32>,
        %get3A_93 = vector.shape_cast %get3A_92 : vector<1x16xf32> to vector<16xf32>
        %add3A_94 = arith.constant 1 : i32
        %add3A_95 = arith.addi %mul3A_90, %add3A_94 : i32
        %get3A_96 = arith.index_cast %add3A_95 : i32 to index
        %get3A_97 = arith.constant 0 : index
        %get3A_98 = tpu.vector_load %arg6[%get3A_96, %get3A_97] {strides = array<i32>} : memref<144x128xf32, #tpu.memory_space<vmem>>, vector<1x16xf32>,
        %get3A_99 = vector.shape_cast %get3A_98 : vector<1x16xf32> to vector<16xf32>
        %add3A_100 = arith.addf %get3A_93, %get3A_99 : vector<16xf32>
        %add3A_101 = arith.constant 2 : i32
        %add3A_102 = arith.addi %mul3A_90, %add3A_101 : i32
        %get3A_103 = arith.index_cast %add3A_102 : i32 to index
        %get3A_104 = arith.constant 0 : index
        %get3A_105 = tpu.vector_load %arg6[%get3A_103, %get3A_104] {strides = array<i32>} : memref<144x128xf32, #tpu.memory_space<vmem>>, vector<1x16xf32>,
        %get3A_106 = vector.shape_cast %get3A_105 : vector<1x16xf32> to vector<16xf32>
        %add3A_107 = arith.addf %add3A_100, %get3A_106 : vector<16xf32>
        %swap3A = arith.index_cast %scan3A_88 : i32 to index
        %swap3A_108 = arith.constant 0 : index
        %swap3A_109 = tpu.vector_load %arg8[%swap3A, %swap3A_108] {strides = array<i32>} : memref<48x128xf32, #tpu.memory_space<vmem>>, vector<1x16xf32>,
        %swap3A_110 = vector.shape_cast %swap3A_109 : vector<1x16xf32> to vector<16xf32>
        %swap3A_111 = vector.shape_cast %add3A_107 : vector<16xf32> to vector<1x16xf32>
        tpu.vector_store %arg8[%swap3A, %swap3A_108], %swap3A_111 {strides = array<i32>} : memref<48x128xf32, #tpu.memory_space<vmem>>, vector<1x16xf32>,
        %get3A_112 = arith.index_cast %mul3A_90 : i32 to index
        %get3A_113 = arith.constant 16 : index
        %get3A_114 = tpu.vector_load %arg6[%get3A_112, %get3A_113] {strides = array<i32>} : memref<144x128xf32, #tpu.memory_space<vmem>>, vector<1x16xf32>,
        %get3A_115 = vector.shape_cast %get3A_114 : vector<1x16xf32> to vector<16xf32>
        %add3A_116 = arith.constant 1 : i32
        %add3A_117 = arith.addi %mul3A_90, %add3A_116 : i32
        %get3A_118 = arith.index_cast %add3A_117 : i32 to index
        %get3A_119 = arith.constant 16 : index
        %get3A_120 = tpu.vector_load %arg6[%get3A_118, %get3A_119] {strides = array<i32>} : memref<144x128xf32, #tpu.memory_space<vmem>>, vector<1x16xf32>,
        %get3A_121 = vector.shape_cast %get3A_120 : vector<1x16xf32> to vector<16xf32>
        %add3A_122 = arith.addf %get3A_115, %get3A_121 : vector<16xf32>
        %add3A_123 = arith.constant 2 : i32
        %add3A_124 = arith.addi %mul3A_90, %add3A_123 : i32
        %get3A_125 = arith.index_cast %add3A_124 : i32 to index
        %get3A_126 = arith.constant 16 : index
        %get3A_127 = tpu.vector_load %arg6[%get3A_125, %get3A_126] {strides = array<i32>} : memref<144x128xf32, #tpu.memory_space<vmem>>, vector<1x16xf32>,
        %get3A_128 = vector.shape_cast %get3A_127 : vector<1x16xf32> to vector<16xf32>
        %add3A_129 = arith.addf %add3A_122, %get3A_128 : vector<16xf32>
        %swap3A_130 = arith.index_cast %scan3A_88 : i32 to index
        %swap3A_131 = arith.constant 16 : index
        %swap3A_132 = tpu.vector_load %arg8[%swap3A_130, %swap3A_131] {strides = array<i32>} : memref<48x128xf32, #tpu.memory_space<vmem>>, vector<1x16xf32>,
        %swap3A_133 = vector.shape_cast %swap3A_132 : vector<1x16xf32> to vector<16xf32>
        %swap3A_134 = vector.shape_cast %add3A_129 : vector<16xf32> to vector<1x16xf32>
        tpu.vector_store %arg8[%swap3A_130, %swap3A_131], %swap3A_134 {strides = array<i32>} : memref<48x128xf32, #tpu.memory_space<vmem>>, vector<1x16xf32>,
        %get3A_135 = arith.index_cast %mul3A_90 : i32 to index
        %get3A_136 = arith.constant 32 : index
        %get3A_137 = tpu.vector_load %arg6[%get3A_135, %get3A_136] {strides = array<i32>} : memref<144x128xf32, #tpu.memory_space<vmem>>, vector<1x16xf32>,
        %get3A_138 = vector.shape_cast %get3A_137 : vector<1x16xf32> to vector<16xf32>
        %add3A_139 = arith.constant 1 : i32
        %add3A_140 = arith.addi %mul3A_90, %add3A_139 : i32
        %get3A_141 = arith.index_cast %add3A_140 : i32 to index
        %get3A_142 = arith.constant 32 : index
        %get3A_143 = tpu.vector_load %arg6[%get3A_141, %get3A_142] {strides = array<i32>} : memref<144x128xf32, #tpu.memory_space<vmem>>, vector<1x16xf32>,
        %get3A_144 = vector.shape_cast %get3A_143 : vector<1x16xf32> to vector<16xf32>
        %add3A_145 = arith.addf %get3A_138, %get3A_144 : vector<16xf32>
        %add3A_146 = arith.constant 2 : i32
        %add3A_147 = arith.addi %mul3A_90, %add3A_146 : i32
        %get3A_148 = arith.index_cast %add3A_147 : i32 to index
        %get3A_149 = arith.constant 32 : index
        %get3A_150 = tpu.vector_load %arg6[%get3A_148, %get3A_149] {strides = array<i32>} : memref<144x128xf32, #tpu.memory_space<vmem>>, vector<1x16xf32>,
        %get3A_151 = vector.shape_cast %get3A_150 : vector<1x16xf32> to vector<16xf32>
        %add3A_152 = arith.addf %add3A_145, %get3A_151 : vector<16xf32>
        %swap3A_153 = arith.index_cast %scan3A_88 : i32 to index
        %swap3A_154 = arith.constant 32 : index
        %swap3A_155 = tpu.vector_load %arg8[%swap3A_153, %swap3A_154] {strides = array<i32>} : memref<48x128xf32, #tpu.memory_space<vmem>>, vector<1x16xf32>,
        %swap3A_156 = vector.shape_cast %swap3A_155 : vector<1x16xf32> to vector<16xf32>
        %swap3A_157 = vector.shape_cast %add3A_152 : vector<16xf32> to vector<1x16xf32>
        tpu.vector_store %arg8[%swap3A_153, %swap3A_154], %swap3A_157 {strides = array<i32>} : memref<48x128xf32, #tpu.memory_space<vmem>>, vector<1x16xf32>,
        %get3A_158 = arith.index_cast %mul3A_90 : i32 to index
        %get3A_159 = arith.constant 48 : index
        %get3A_160 = tpu.vector_load %arg6[%get3A_158, %get3A_159] {strides = array<i32>} : memref<144x128xf32, #tpu.memory_space<vmem>>, vector<1x16xf32>,
        %get3A_161 = vector.shape_cast %get3A_160 : vector<1x16xf32> to vector<16xf32>
        %add3A_162 = arith.constant 1 : i32
        %add3A_163 = arith.addi %mul3A_90, %add3A_162 : i32
        %get3A_164 = arith.index_cast %add3A_163 : i32 to index
        %get3A_165 = arith.constant 48 : index
        %get3A_166 = tpu.vector_load %arg6[%get3A_164, %get3A_165] {strides = array<i32>} : memref<144x128xf32, #tpu.memory_space<vmem>>, vector<1x16xf32>,
        %get3A_167 = vector.shape_cast %get3A_166 : vector<1x16xf32> to vector<16xf32>
        %add3A_168 = arith.addf %get3A_161, %get3A_167 : vector<16xf32>
        %add3A_169 = arith.constant 2 : i32
        %add3A_170 = arith.addi %mul3A_90, %add3A_169 : i32
        %get3A_171 = arith.index_cast %add3A_170 : i32 to index
        %get3A_172 = arith.constant 48 : index
        %get3A_173 = tpu.vector_load %arg6[%get3A_171, %get3A_172] {strides = array<i32>} : memref<144x128xf32, #tpu.memory_space<vmem>>, vector<1x16xf32>,
        %get3A_174 = vector.shape_cast %get3A_173 : vector<1x16xf32> to vector<16xf32>
        %add3A_175 = arith.addf %add3A_168, %get3A_174 : vector<16xf32>
        %swap3A_176 = arith.index_cast %scan3A_88 : i32 to index
        %swap3A_177 = arith.constant 48 : index
        %swap3A_178 = tpu.vector_load %arg8[%swap3A_176, %swap3A_177] {strides = array<i32>} : memref<48x128xf32, #tpu.memory_space<vmem>>, vector<1x16xf32>,
        %swap3A_179 = vector.shape_cast %swap3A_178 : vector<1x16xf32> to vector<16xf32>
        %swap3A_180 = vector.shape_cast %add3A_175 : vector<16xf32> to vector<1x16xf32>
        tpu.vector_store %arg8[%swap3A_176, %swap3A_177], %swap3A_180 {strides = array<i32>} : memref<48x128xf32, #tpu.memory_space<vmem>>, vector<1x16xf32>,
        %get3A_181 = arith.index_cast %mul3A_90 : i32 to index
        %get3A_182 = arith.constant 64 : index
        %get3A_183 = tpu.vector_load %arg6[%get3A_181, %get3A_182] {strides = array<i32>} : memref<144x128xf32, #tpu.memory_space<vmem>>, vector<1x16xf32>,
        %get3A_184 = vector.shape_cast %get3A_183 : vector<1x16xf32> to vector<16xf32>
        %add3A_185 = arith.constant 1 : i32
        %add3A_186 = arith.addi %mul3A_90, %add3A_185 : i32
        %get3A_187 = arith.index_cast %add3A_186 : i32 to index
        %get3A_188 = arith.constant 64 : index
        %get3A_189 = tpu.vector_load %arg6[%get3A_187, %get3A_188] {strides = array<i32>} : memref<144x128xf32, #tpu.memory_space<vmem>>, vector<1x16xf32>,
        %get3A_190 = vector.shape_cast %get3A_189 : vector<1x16xf32> to vector<16xf32>
        %add3A_191 = arith.addf %get3A_184, %get3A_190 : vector<16xf32>
        %add3A_192 = arith.constant 2 : i32
        %add3A_193 = arith.addi %mul3A_90, %add3A_192 : i32
        %get3A_194 = arith.index_cast %add3A_193 : i32 to index
        %get3A_195 = arith.constant 64 : index
        %get3A_196 = tpu.vector_load %arg6[%get3A_194, %get3A_195] {strides = array<i32>} : memref<144x128xf32, #tpu.memory_space<vmem>>, vector<1x16xf32>,
        %get3A_197 = vector.shape_cast %get3A_196 : vector<1x16xf32> to vector<16xf32>
        %add3A_198 = arith.addf %add3A_191, %get3A_197 : vector<16xf32>
        %swap3A_199 = arith.index_cast %scan3A_88 : i32 to index
        %swap3A_200 = arith.constant 64 : index
        %swap3A_201 = tpu.vector_load %arg8[%swap3A_199, %swap3A_200] {strides = array<i32>} : memref<48x128xf32, #tpu.memory_space<vmem>>, vector<1x16xf32>,
        %swap3A_202 = vector.shape_cast %swap3A_201 : vector<1x16xf32> to vector<16xf32>
        %swap3A_203 = vector.shape_cast %add3A_198 : vector<16xf32> to vector<1x16xf32>
        tpu.vector_store %arg8[%swap3A_199, %swap3A_200], %swap3A_203 {strides = array<i32>} : memref<48x128xf32, #tpu.memory_space<vmem>>, vector<1x16xf32>,
        %get3A_204 = arith.index_cast %mul3A_90 : i32 to index
        %get3A_205 = arith.constant 80 : index
        %get3A_206 = tpu.vector_load %arg6[%get3A_204, %get3A_205] {strides = array<i32>} : memref<144x128xf32, #tpu.memory_space<vmem>>, vector<1x16xf32>,
        %get3A_207 = vector.shape_cast %get3A_206 : vector<1x16xf32> to vector<16xf32>
        %add3A_208 = arith.constant 1 : i32
        %add3A_209 = arith.addi %mul3A_90, %add3A_208 : i32
        %get3A_210 = arith.index_cast %add3A_209 : i32 to index
        %get3A_211 = arith.constant 80 : index
        %get3A_212 = tpu.vector_load %arg6[%get3A_210, %get3A_211] {strides = array<i32>} : memref<144x128xf32, #tpu.memory_space<vmem>>, vector<1x16xf32>,
        %get3A_213 = vector.shape_cast %get3A_212 : vector<1x16xf32> to vector<16xf32>
        %add3A_214 = arith.addf %get3A_207, %get3A_213 : vector<16xf32>
        %add3A_215 = arith.constant 2 : i32
        %add3A_216 = arith.addi %mul3A_90, %add3A_215 : i32
        %get3A_217 = arith.index_cast %add3A_216 : i32 to index
        %get3A_218 = arith.constant 80 : index
        %get3A_219 = tpu.vector_load %arg6[%get3A_217, %get3A_218] {strides = array<i32>} : memref<144x128xf32, #tpu.memory_space<vmem>>, vector<1x16xf32>,
        %get3A_220 = vector.shape_cast %get3A_219 : vector<1x16xf32> to vector<16xf32>
        %add3A_221 = arith.addf %add3A_214, %get3A_220 : vector<16xf32>
        %swap3A_222 = arith.index_cast %scan3A_88 : i32 to index
        %swap3A_223 = arith.constant 80 : index
        %swap3A_224 = tpu.vector_load %arg8[%swap3A_222, %swap3A_223] {strides = array<i32>} : memref<48x128xf32, #tpu.memory_space<vmem>>, vector<1x16xf32>,
        %swap3A_225 = vector.shape_cast %swap3A_224 : vector<1x16xf32> to vector<16xf32>
        %swap3A_226 = vector.shape_cast %add3A_221 : vector<16xf32> to vector<1x16xf32>
        tpu.vector_store %arg8[%swap3A_222, %swap3A_223], %swap3A_226 {strides = array<i32>} : memref<48x128xf32, #tpu.memory_space<vmem>>, vector<1x16xf32>,
        %get3A_227 = arith.index_cast %mul3A_90 : i32 to index
        %get3A_228 = arith.constant 96 : index
        %get3A_229 = tpu.vector_load %arg6[%get3A_227, %get3A_228] {strides = array<i32>} : memref<144x128xf32, #tpu.memory_space<vmem>>, vector<1x16xf32>,
        %get3A_230 = vector.shape_cast %get3A_229 : vector<1x16xf32> to vector<16xf32>
        %add3A_231 = arith.constant 1 : i32
        %add3A_232 = arith.addi %mul3A_90, %add3A_231 : i32
        %get3A_233 = arith.index_cast %add3A_232 : i32 to index
        %get3A_234 = arith.constant 96 : index
        %get3A_235 = tpu.vector_load %arg6[%get3A_233, %get3A_234] {strides = array<i32>} : memref<144x128xf32, #tpu.memory_space<vmem>>, vector<1x16xf32>,
        %get3A_236 = vector.shape_cast %get3A_235 : vector<1x16xf32> to vector<16xf32>
        %add3A_237 = arith.addf %get3A_230, %get3A_236 : vector<16xf32>
        %add3A_238 = arith.constant 2 : i32
        %add3A_239 = arith.addi %mul3A_90, %add3A_238 : i32
        %get3A_240 = arith.index_cast %add3A_239 : i32 to index
        %get3A_241 = arith.constant 96 : index
        %get3A_242 = tpu.vector_load %arg6[%get3A_240, %get3A_241] {strides = array<i32>} : memref<144x128xf32, #tpu.memory_space<vmem>>, vector<1x16xf32>,
        %get3A_243 = vector.shape_cast %get3A_242 : vector<1x16xf32> to vector<16xf32>
        %add3A_244 = arith.addf %add3A_237, %get3A_243 : vector<16xf32>
        %swap3A_245 = arith.index_cast %scan3A_88 : i32 to index
        %swap3A_246 = arith.constant 96 : index
        %swap3A_247 = tpu.vector_load %arg8[%swap3A_245, %swap3A_246] {strides = array<i32>} : memref<48x128xf32, #tpu.memory_space<vmem>>, vector<1x16xf32>,
        %swap3A_248 = vector.shape_cast %swap3A_247 : vector<1x16xf32> to vector<16xf32>
        %swap3A_249 = vector.shape_cast %add3A_244 : vector<16xf32> to vector<1x16xf32>
        tpu.vector_store %arg8[%swap3A_245, %swap3A_246], %swap3A_249 {strides = array<i32>} : memref<48x128xf32, #tpu.memory_space<vmem>>, vector<1x16xf32>,
        %get3A_250 = arith.index_cast %mul3A_90 : i32 to index
        %get3A_251 = arith.constant 112 : index
        %get3A_252 = tpu.vector_load %arg6[%get3A_250, %get3A_251] {strides = array<i32>} : memref<144x128xf32, #tpu.memory_space<vmem>>, vector<1x16xf32>,
        %get3A_253 = vector.shape_cast %get3A_252 : vector<1x16xf32> to vector<16xf32>
        %add3A_254 = arith.constant 1 : i32
        %add3A_255 = arith.addi %mul3A_90, %add3A_254 : i32
        %get3A_256 = arith.index_cast %add3A_255 : i32 to index
        %get3A_257 = arith.constant 112 : index
        %get3A_258 = tpu.vector_load %arg6[%get3A_256, %get3A_257] {strides = array<i32>} : memref<144x128xf32, #tpu.memory_space<vmem>>, vector<1x16xf32>,
        %get3A_259 = vector.shape_cast %get3A_258 : vector<1x16xf32> to vector<16xf32>
        %add3A_260 = arith.addf %get3A_253, %get3A_259 : vector<16xf32>
        %add3A_261 = arith.constant 2 : i32
        %add3A_262 = arith.addi %mul3A_90, %add3A_261 : i32
        %get3A_263 = arith.index_cast %add3A_262 : i32 to index
        %get3A_264 = arith.constant 112 : index
        %get3A_265 = tpu.vector_load %arg6[%get3A_263, %get3A_264] {strides = array<i32>} : memref<144x128xf32, #tpu.memory_space<vmem>>, vector<1x16xf32>,
        %get3A_266 = vector.shape_cast %get3A_265 : vector<1x16xf32> to vector<16xf32>
        %add3A_267 = arith.addf %add3A_260, %get3A_266 : vector<16xf32>
        %swap3A_268 = arith.index_cast %scan3A_88 : i32 to index
        %swap3A_269 = arith.constant 112 : index
        %swap3A_270 = tpu.vector_load %arg8[%swap3A_268, %swap3A_269] {strides = array<i32>} : memref<48x128xf32, #tpu.memory_space<vmem>>, vector<1x16xf32>,
        %swap3A_271 = vector.shape_cast %swap3A_270 : vector<1x16xf32> to vector<16xf32>
        %swap3A_272 = vector.shape_cast %add3A_267 : vector<16xf32> to vector<1x16xf32>
        tpu.vector_store %arg8[%swap3A_268, %swap3A_269], %swap3A_272 {strides = array<i32>} : memref<48x128xf32, #tpu.memory_space<vmem>>, vector<1x16xf32>,
      }
      %scan3A_40 = arith.constant 48 : i32
      %mul3A_41 = arith.constant 66 : i32
      %mul3A_42 = arith.muli %add3A, %mul3A_41 : i32
      %add3A_43 = arith.addi %mul3A_42, %add3A_20 : i32
      %mul3A_44 = arith.constant 48 : i32
      %mul3A_45 = arith.muli %add3A_43, %mul3A_44 : i32
      %dma_start3A_46 = arith.constant 0 : i32
      %dma_start3A_47 = tpu.memref_slice %arg4[%mul3A_45, %dma_start3A_46] : memref<101376x128xf32, #tpu.memory_space<hbm>> -> memref<48x128xf32, #tpu.memory_space<hbm>>
      %dma_start3A_48 = arith.constant 0 : i32
      %dma_start3A_49 = tpu.memref_slice %arg4[%mul3A_45, %dma_start3A_48] : memref<101376x128xf32, #tpu.memory_space<hbm>> -> memref<48x128xf32, #tpu.memory_space<hbm>>
      tpu.enqueue_dma source(%arg8 : memref<48x128xf32, #tpu.memory_space<vmem>>) target(%dma_start3A_49 : memref<48x128xf32, #tpu.memory_space<hbm>>) target_semaphore(%arg11 : memref<!tpu.dma_semaphore, #tpu.memory_space<semaphore_mem>>)
      %mul3A_50 = arith.constant 2 : i32
      %mul3A_51 = arith.muli %mul3A_50, %scan3A_16 : i32
      %add3A_52 = arith.constant 1 : i32
      %add3A_53 = arith.addi %mul3A_51, %add3A_52 : i32
      %add3A_54 = arith.constant 2 : i32
      %add3A_55 = arith.addi %add3A_53, %add3A_54 : i32
      %sub3A_56 = arith.constant 1 : i32
      %sub3A_57 = arith.subi %add3A_55, %sub3A_56 : i32
      %lt3A_58 = arith.constant 66 : i32
      %lt3A_59 = arith.cmpi slt, %sub3A_57, %lt3A_58 : i32
      %convert_element_type3A_60 = arith.extui %lt3A_59 : i1 to i32
      %cond3A_61 = arith.constant 0 : i32
      %cond3A_62 = arith.cmpi ne, %convert_element_type3A_60, %cond3A_61 : i32
      scf.if %cond3A_62 {
        %add3A_88 = arith.constant 2 : i32
        %add3A_89 = arith.addi %add3A_53, %add3A_88 : i32
        %sub3A_90 = arith.constant 1 : i32
        %sub3A_91 = arith.subi %add3A_89, %sub3A_90 : i32
        %mul3A_92 = arith.constant 3 : i32
        %mul3A_93 = arith.muli %sub3A_91, %mul3A_92 : i32
        %mul3A_94 = arith.constant 48 : i32
        %mul3A_95 = arith.muli %mul3A_93, %mul3A_94 : i32
        %dma_start3A_96 = tpu.memref_slice %arg5[%mul3A_95] : memref<9504xi32, #tpu.memory_space<vmem>> -> memref<144xi32, #tpu.memory_space<vmem>>
        %dma_start3A_97 = arith.constant 0 : i32
        %dma_start3A_98 = arith.constant 0 : i32
        %dma_start3A_99 = tpu.memref_slice %arg2[%dma_start3A_97, %dma_start3A_98] : memref<200000x128xf32, #tpu.memory_space<hbm>> -> memref<200000x128xf32, #tpu.memory_space<hbm>>
        tpu.enqueue_indirect_dma source(%dma_start3A_99 : memref<200000x128xf32, #tpu.memory_space<hbm>>) target(%arg6 : memref<144x128xf32, #tpu.memory_space<vmem>>) offsets(%dma_start3A_96 : memref<144xi32, #tpu.memory_space<vmem>>) semaphore(%arg9 : memref<!tpu.dma_semaphore, #tpu.memory_space<semaphore_mem>>)
      } else {
      }
      %dma_wait3A_63 = arith.constant 0 : i32
      %dma_wait3A_64 = arith.constant 0 : i32
      %dma_wait3A_65 = tpu.memref_slice %arg2[%dma_wait3A_63, %dma_wait3A_64] : memref<200000x128xf32, #tpu.memory_space<hbm>> -> memref<144x128xf32, #tpu.memory_space<hbm>>
      %dma_wait3A_66 = arith.constant 0 : i32
      %dma_wait3A_67 = arith.constant 0 : i32
      %dma_wait3A_68 = tpu.memref_slice %arg2[%dma_wait3A_66, %dma_wait3A_67] : memref<200000x128xf32, #tpu.memory_space<hbm>> -> memref<144x128xf32, #tpu.memory_space<hbm>>
      tpu.wait_dma2 semaphore(%arg10 : memref<!tpu.dma_semaphore, #tpu.memory_space<semaphore_mem>>) src(%dma_wait3A_68 : memref<144x128xf32, #tpu.memory_space<hbm>>) dst(%arg7 : memref<144x128xf32, #tpu.memory_space<vmem>>)
      %ge3A_69 = arith.constant 1 : i32
      %ge3A_70 = arith.cmpi sge, %add3A_53, %ge3A_69 : i32
      %convert_element_type3A_71 = arith.extui %ge3A_70 : i1 to i32
      %cond3A_72 = arith.constant 0 : i32
      %cond3A_73 = arith.cmpi ne, %convert_element_type3A_71, %cond3A_72 : i32
      scf.if %cond3A_73 {
        %dma_wait3A_88 = arith.constant 0 : i32
        %dma_wait3A_89 = arith.constant 0 : i32
        %dma_wait3A_90 = tpu.memref_slice %arg4[%dma_wait3A_88, %dma_wait3A_89] : memref<101376x128xf32, #tpu.memory_space<hbm>> -> memref<48x128xf32, #tpu.memory_space<hbm>>
        %dma_wait3A_91 = arith.constant 0 : i32
        %dma_wait3A_92 = arith.constant 0 : i32
        %dma_wait3A_93 = tpu.memref_slice %arg4[%dma_wait3A_91, %dma_wait3A_92] : memref<101376x128xf32, #tpu.memory_space<hbm>> -> memref<48x128xf32, #tpu.memory_space<hbm>>
        tpu.wait_dma2 semaphore(%arg11 : memref<!tpu.dma_semaphore, #tpu.memory_space<semaphore_mem>>) src(%arg8 : memref<48x128xf32, #tpu.memory_space<vmem>>) dst(%dma_wait3A_93 : memref<48x128xf32, #tpu.memory_space<hbm>>)
      } else {
      }
      %scan3A_74 = arith.constant 0 : i32
      %scan3A_75 = arith.constant 48 : i32
      %scan3A_76 = arith.addi %scan3A_74, %scan3A_75 : i32
      %scan3A_77 = arith.constant 1 : i32
      scf.for %scan3A_88 = %scan3A_74 to %scan3A_76 step %scan3A_77  : i32 {
        %mul3A_89 = arith.constant 3 : i32
        %mul3A_90 = arith.muli %scan3A_88, %mul3A_89 : i32
        %get3A = arith.index_cast %mul3A_90 : i32 to index
        %get3A_91 = arith.constant 0 : index
        %get3A_92 = tpu.vector_load %arg7[%get3A, %get3A_91] {strides = array<i32>} : memref<144x128xf32, #tpu.memory_space<vmem>>, vector<1x16xf32>,
        %get3A_93 = vector.shape_cast %get3A_92 : vector<1x16xf32> to vector<16xf32>
        %add3A_94 = arith.constant 1 : i32
        %add3A_95 = arith.addi %mul3A_90, %add3A_94 : i32
        %get3A_96 = arith.index_cast %add3A_95 : i32 to index
        %get3A_97 = arith.constant 0 : index
        %get3A_98 = tpu.vector_load %arg7[%get3A_96, %get3A_97] {strides = array<i32>} : memref<144x128xf32, #tpu.memory_space<vmem>>, vector<1x16xf32>,
        %get3A_99 = vector.shape_cast %get3A_98 : vector<1x16xf32> to vector<16xf32>
        %add3A_100 = arith.addf %get3A_93, %get3A_99 : vector<16xf32>
        %add3A_101 = arith.constant 2 : i32
        %add3A_102 = arith.addi %mul3A_90, %add3A_101 : i32
        %get3A_103 = arith.index_cast %add3A_102 : i32 to index
        %get3A_104 = arith.constant 0 : index
        %get3A_105 = tpu.vector_load %arg7[%get3A_103, %get3A_104] {strides = array<i32>} : memref<144x128xf32, #tpu.memory_space<vmem>>, vector<1x16xf32>,
        %get3A_106 = vector.shape_cast %get3A_105 : vector<1x16xf32> to vector<16xf32>
        %add3A_107 = arith.addf %add3A_100, %get3A_106 : vector<16xf32>
        %swap3A = arith.index_cast %scan3A_88 : i32 to index
        %swap3A_108 = arith.constant 0 : index
        %swap3A_109 = tpu.vector_load %arg8[%swap3A, %swap3A_108] {strides = array<i32>} : memref<48x128xf32, #tpu.memory_space<vmem>>, vector<1x16xf32>,
        %swap3A_110 = vector.shape_cast %swap3A_109 : vector<1x16xf32> to vector<16xf32>
        %swap3A_111 = vector.shape_cast %add3A_107 : vector<16xf32> to vector<1x16xf32>
        tpu.vector_store %arg8[%swap3A, %swap3A_108], %swap3A_111 {strides = array<i32>} : memref<48x128xf32, #tpu.memory_space<vmem>>, vector<1x16xf32>,
        %get3A_112 = arith.index_cast %mul3A_90 : i32 to index
        %get3A_113 = arith.constant 16 : index
        %get3A_114 = tpu.vector_load %arg7[%get3A_112, %get3A_113] {strides = array<i32>} : memref<144x128xf32, #tpu.memory_space<vmem>>, vector<1x16xf32>,
        %get3A_115 = vector.shape_cast %get3A_114 : vector<1x16xf32> to vector<16xf32>
        %add3A_116 = arith.constant 1 : i32
        %add3A_117 = arith.addi %mul3A_90, %add3A_116 : i32
        %get3A_118 = arith.index_cast %add3A_117 : i32 to index
        %get3A_119 = arith.constant 16 : index
        %get3A_120 = tpu.vector_load %arg7[%get3A_118, %get3A_119] {strides = array<i32>} : memref<144x128xf32, #tpu.memory_space<vmem>>, vector<1x16xf32>,
        %get3A_121 = vector.shape_cast %get3A_120 : vector<1x16xf32> to vector<16xf32>
        %add3A_122 = arith.addf %get3A_115, %get3A_121 : vector<16xf32>
        %add3A_123 = arith.constant 2 : i32
        %add3A_124 = arith.addi %mul3A_90, %add3A_123 : i32
        %get3A_125 = arith.index_cast %add3A_124 : i32 to index
        %get3A_126 = arith.constant 16 : index
        %get3A_127 = tpu.vector_load %arg7[%get3A_125, %get3A_126] {strides = array<i32>} : memref<144x128xf32, #tpu.memory_space<vmem>>, vector<1x16xf32>,
        %get3A_128 = vector.shape_cast %get3A_127 : vector<1x16xf32> to vector<16xf32>
        %add3A_129 = arith.addf %add3A_122, %get3A_128 : vector<16xf32>
        %swap3A_130 = arith.index_cast %scan3A_88 : i32 to index
        %swap3A_131 = arith.constant 16 : index
        %swap3A_132 = tpu.vector_load %arg8[%swap3A_130, %swap3A_131] {strides = array<i32>} : memref<48x128xf32, #tpu.memory_space<vmem>>, vector<1x16xf32>,
        %swap3A_133 = vector.shape_cast %swap3A_132 : vector<1x16xf32> to vector<16xf32>
        %swap3A_134 = vector.shape_cast %add3A_129 : vector<16xf32> to vector<1x16xf32>
        tpu.vector_store %arg8[%swap3A_130, %swap3A_131], %swap3A_134 {strides = array<i32>} : memref<48x128xf32, #tpu.memory_space<vmem>>, vector<1x16xf32>,
        %get3A_135 = arith.index_cast %mul3A_90 : i32 to index
        %get3A_136 = arith.constant 32 : index
        %get3A_137 = tpu.vector_load %arg7[%get3A_135, %get3A_136] {strides = array<i32>} : memref<144x128xf32, #tpu.memory_space<vmem>>, vector<1x16xf32>,
        %get3A_138 = vector.shape_cast %get3A_137 : vector<1x16xf32> to vector<16xf32>
        %add3A_139 = arith.constant 1 : i32
        %add3A_140 = arith.addi %mul3A_90, %add3A_139 : i32
        %get3A_141 = arith.index_cast %add3A_140 : i32 to index
        %get3A_142 = arith.constant 32 : index
        %get3A_143 = tpu.vector_load %arg7[%get3A_141, %get3A_142] {strides = array<i32>} : memref<144x128xf32, #tpu.memory_space<vmem>>, vector<1x16xf32>,
        %get3A_144 = vector.shape_cast %get3A_143 : vector<1x16xf32> to vector<16xf32>
        %add3A_145 = arith.addf %get3A_138, %get3A_144 : vector<16xf32>
        %add3A_146 = arith.constant 2 : i32
        %add3A_147 = arith.addi %mul3A_90, %add3A_146 : i32
        %get3A_148 = arith.index_cast %add3A_147 : i32 to index
        %get3A_149 = arith.constant 32 : index
        %get3A_150 = tpu.vector_load %arg7[%get3A_148, %get3A_149] {strides = array<i32>} : memref<144x128xf32, #tpu.memory_space<vmem>>, vector<1x16xf32>,
        %get3A_151 = vector.shape_cast %get3A_150 : vector<1x16xf32> to vector<16xf32>
        %add3A_152 = arith.addf %add3A_145, %get3A_151 : vector<16xf32>
        %swap3A_153 = arith.index_cast %scan3A_88 : i32 to index
        %swap3A_154 = arith.constant 32 : index
        %swap3A_155 = tpu.vector_load %arg8[%swap3A_153, %swap3A_154] {strides = array<i32>} : memref<48x128xf32, #tpu.memory_space<vmem>>, vector<1x16xf32>,
        %swap3A_156 = vector.shape_cast %swap3A_155 : vector<1x16xf32> to vector<16xf32>
        %swap3A_157 = vector.shape_cast %add3A_152 : vector<16xf32> to vector<1x16xf32>
        tpu.vector_store %arg8[%swap3A_153, %swap3A_154], %swap3A_157 {strides = array<i32>} : memref<48x128xf32, #tpu.memory_space<vmem>>, vector<1x16xf32>,
        %get3A_158 = arith.index_cast %mul3A_90 : i32 to index
        %get3A_159 = arith.constant 48 : index
        %get3A_160 = tpu.vector_load %arg7[%get3A_158, %get3A_159] {strides = array<i32>} : memref<144x128xf32, #tpu.memory_space<vmem>>, vector<1x16xf32>,
        %get3A_161 = vector.shape_cast %get3A_160 : vector<1x16xf32> to vector<16xf32>
        %add3A_162 = arith.constant 1 : i32
        %add3A_163 = arith.addi %mul3A_90, %add3A_162 : i32
        %get3A_164 = arith.index_cast %add3A_163 : i32 to index
        %get3A_165 = arith.constant 48 : index
        %get3A_166 = tpu.vector_load %arg7[%get3A_164, %get3A_165] {strides = array<i32>} : memref<144x128xf32, #tpu.memory_space<vmem>>, vector<1x16xf32>,
        %get3A_167 = vector.shape_cast %get3A_166 : vector<1x16xf32> to vector<16xf32>
        %add3A_168 = arith.addf %get3A_161, %get3A_167 : vector<16xf32>
        %add3A_169 = arith.constant 2 : i32
        %add3A_170 = arith.addi %mul3A_90, %add3A_169 : i32
        %get3A_171 = arith.index_cast %add3A_170 : i32 to index
        %get3A_172 = arith.constant 48 : index
        %get3A_173 = tpu.vector_load %arg7[%get3A_171, %get3A_172] {strides = array<i32>} : memref<144x128xf32, #tpu.memory_space<vmem>>, vector<1x16xf32>,
        %get3A_174 = vector.shape_cast %get3A_173 : vector<1x16xf32> to vector<16xf32>
        %add3A_175 = arith.addf %add3A_168, %get3A_174 : vector<16xf32>
        %swap3A_176 = arith.index_cast %scan3A_88 : i32 to index
        %swap3A_177 = arith.constant 48 : index
        %swap3A_178 = tpu.vector_load %arg8[%swap3A_176, %swap3A_177] {strides = array<i32>} : memref<48x128xf32, #tpu.memory_space<vmem>>, vector<1x16xf32>,
        %swap3A_179 = vector.shape_cast %swap3A_178 : vector<1x16xf32> to vector<16xf32>
        %swap3A_180 = vector.shape_cast %add3A_175 : vector<16xf32> to vector<1x16xf32>
        tpu.vector_store %arg8[%swap3A_176, %swap3A_177], %swap3A_180 {strides = array<i32>} : memref<48x128xf32, #tpu.memory_space<vmem>>, vector<1x16xf32>,
        %get3A_181 = arith.index_cast %mul3A_90 : i32 to index
        %get3A_182 = arith.constant 64 : index
        %get3A_183 = tpu.vector_load %arg7[%get3A_181, %get3A_182] {strides = array<i32>} : memref<144x128xf32, #tpu.memory_space<vmem>>, vector<1x16xf32>,
        %get3A_184 = vector.shape_cast %get3A_183 : vector<1x16xf32> to vector<16xf32>
        %add3A_185 = arith.constant 1 : i32
        %add3A_186 = arith.addi %mul3A_90, %add3A_185 : i32
        %get3A_187 = arith.index_cast %add3A_186 : i32 to index
        %get3A_188 = arith.constant 64 : index
        %get3A_189 = tpu.vector_load %arg7[%get3A_187, %get3A_188] {strides = array<i32>} : memref<144x128xf32, #tpu.memory_space<vmem>>, vector<1x16xf32>,
        %get3A_190 = vector.shape_cast %get3A_189 : vector<1x16xf32> to vector<16xf32>
        %add3A_191 = arith.addf %get3A_184, %get3A_190 : vector<16xf32>
        %add3A_192 = arith.constant 2 : i32
        %add3A_193 = arith.addi %mul3A_90, %add3A_192 : i32
        %get3A_194 = arith.index_cast %add3A_193 : i32 to index
        %get3A_195 = arith.constant 64 : index
        %get3A_196 = tpu.vector_load %arg7[%get3A_194, %get3A_195] {strides = array<i32>} : memref<144x128xf32, #tpu.memory_space<vmem>>, vector<1x16xf32>,
        %get3A_197 = vector.shape_cast %get3A_196 : vector<1x16xf32> to vector<16xf32>
        %add3A_198 = arith.addf %add3A_191, %get3A_197 : vector<16xf32>
        %swap3A_199 = arith.index_cast %scan3A_88 : i32 to index
        %swap3A_200 = arith.constant 64 : index
        %swap3A_201 = tpu.vector_load %arg8[%swap3A_199, %swap3A_200] {strides = array<i32>} : memref<48x128xf32, #tpu.memory_space<vmem>>, vector<1x16xf32>,
        %swap3A_202 = vector.shape_cast %swap3A_201 : vector<1x16xf32> to vector<16xf32>
        %swap3A_203 = vector.shape_cast %add3A_198 : vector<16xf32> to vector<1x16xf32>
        tpu.vector_store %arg8[%swap3A_199, %swap3A_200], %swap3A_203 {strides = array<i32>} : memref<48x128xf32, #tpu.memory_space<vmem>>, vector<1x16xf32>,
        %get3A_204 = arith.index_cast %mul3A_90 : i32 to index
        %get3A_205 = arith.constant 80 : index
        %get3A_206 = tpu.vector_load %arg7[%get3A_204, %get3A_205] {strides = array<i32>} : memref<144x128xf32, #tpu.memory_space<vmem>>, vector<1x16xf32>,
        %get3A_207 = vector.shape_cast %get3A_206 : vector<1x16xf32> to vector<16xf32>
        %add3A_208 = arith.constant 1 : i32
        %add3A_209 = arith.addi %mul3A_90, %add3A_208 : i32
        %get3A_210 = arith.index_cast %add3A_209 : i32 to index
        %get3A_211 = arith.constant 80 : index
        %get3A_212 = tpu.vector_load %arg7[%get3A_210, %get3A_211] {strides = array<i32>} : memref<144x128xf32, #tpu.memory_space<vmem>>, vector<1x16xf32>,
        %get3A_213 = vector.shape_cast %get3A_212 : vector<1x16xf32> to vector<16xf32>
        %add3A_214 = arith.addf %get3A_207, %get3A_213 : vector<16xf32>
        %add3A_215 = arith.constant 2 : i32
        %add3A_216 = arith.addi %mul3A_90, %add3A_215 : i32
        %get3A_217 = arith.index_cast %add3A_216 : i32 to index
        %get3A_218 = arith.constant 80 : index
        %get3A_219 = tpu.vector_load %arg7[%get3A_217, %get3A_218] {strides = array<i32>} : memref<144x128xf32, #tpu.memory_space<vmem>>, vector<1x16xf32>,
        %get3A_220 = vector.shape_cast %get3A_219 : vector<1x16xf32> to vector<16xf32>
        %add3A_221 = arith.addf %add3A_214, %get3A_220 : vector<16xf32>
        %swap3A_222 = arith.index_cast %scan3A_88 : i32 to index
        %swap3A_223 = arith.constant 80 : index
        %swap3A_224 = tpu.vector_load %arg8[%swap3A_222, %swap3A_223] {strides = array<i32>} : memref<48x128xf32, #tpu.memory_space<vmem>>, vector<1x16xf32>,
        %swap3A_225 = vector.shape_cast %swap3A_224 : vector<1x16xf32> to vector<16xf32>
        %swap3A_226 = vector.shape_cast %add3A_221 : vector<16xf32> to vector<1x16xf32>
        tpu.vector_store %arg8[%swap3A_222, %swap3A_223], %swap3A_226 {strides = array<i32>} : memref<48x128xf32, #tpu.memory_space<vmem>>, vector<1x16xf32>,
        %get3A_227 = arith.index_cast %mul3A_90 : i32 to index
        %get3A_228 = arith.constant 96 : index
        %get3A_229 = tpu.vector_load %arg7[%get3A_227, %get3A_228] {strides = array<i32>} : memref<144x128xf32, #tpu.memory_space<vmem>>, vector<1x16xf32>,
        %get3A_230 = vector.shape_cast %get3A_229 : vector<1x16xf32> to vector<16xf32>
        %add3A_231 = arith.constant 1 : i32
        %add3A_232 = arith.addi %mul3A_90, %add3A_231 : i32
        %get3A_233 = arith.index_cast %add3A_232 : i32 to index
        %get3A_234 = arith.constant 96 : index
        %get3A_235 = tpu.vector_load %arg7[%get3A_233, %get3A_234] {strides = array<i32>} : memref<144x128xf32, #tpu.memory_space<vmem>>, vector<1x16xf32>,
        %get3A_236 = vector.shape_cast %get3A_235 : vector<1x16xf32> to vector<16xf32>
        %add3A_237 = arith.addf %get3A_230, %get3A_236 : vector<16xf32>
        %add3A_238 = arith.constant 2 : i32
        %add3A_239 = arith.addi %mul3A_90, %add3A_238 : i32
        %get3A_240 = arith.index_cast %add3A_239 : i32 to index
        %get3A_241 = arith.constant 96 : index
        %get3A_242 = tpu.vector_load %arg7[%get3A_240, %get3A_241] {strides = array<i32>} : memref<144x128xf32, #tpu.memory_space<vmem>>, vector<1x16xf32>,
        %get3A_243 = vector.shape_cast %get3A_242 : vector<1x16xf32> to vector<16xf32>
        %add3A_244 = arith.addf %add3A_237, %get3A_243 : vector<16xf32>
        %swap3A_245 = arith.index_cast %scan3A_88 : i32 to index
        %swap3A_246 = arith.constant 96 : index
        %swap3A_247 = tpu.vector_load %arg8[%swap3A_245, %swap3A_246] {strides = array<i32>} : memref<48x128xf32, #tpu.memory_space<vmem>>, vector<1x16xf32>,
        %swap3A_248 = vector.shape_cast %swap3A_247 : vector<1x16xf32> to vector<16xf32>
        %swap3A_249 = vector.shape_cast %add3A_244 : vector<16xf32> to vector<1x16xf32>
        tpu.vector_store %arg8[%swap3A_245, %swap3A_246], %swap3A_249 {strides = array<i32>} : memref<48x128xf32, #tpu.memory_space<vmem>>, vector<1x16xf32>,
        %get3A_250 = arith.index_cast %mul3A_90 : i32 to index
        %get3A_251 = arith.constant 112 : index
        %get3A_252 = tpu.vector_load %arg7[%get3A_250, %get3A_251] {strides = array<i32>} : memref<144x128xf32, #tpu.memory_space<vmem>>, vector<1x16xf32>,
        %get3A_253 = vector.shape_cast %get3A_252 : vector<1x16xf32> to vector<16xf32>
        %add3A_254 = arith.constant 1 : i32
        %add3A_255 = arith.addi %mul3A_90, %add3A_254 : i32
        %get3A_256 = arith.index_cast %add3A_255 : i32 to index
        %get3A_257 = arith.constant 112 : index
        %get3A_258 = tpu.vector_load %arg7[%get3A_256, %get3A_257] {strides = array<i32>} : memref<144x128xf32, #tpu.memory_space<vmem>>, vector<1x16xf32>,
        %get3A_259 = vector.shape_cast %get3A_258 : vector<1x16xf32> to vector<16xf32>
        %add3A_260 = arith.addf %get3A_253, %get3A_259 : vector<16xf32>
        %add3A_261 = arith.constant 2 : i32
        %add3A_262 = arith.addi %mul3A_90, %add3A_261 : i32
        %get3A_263 = arith.index_cast %add3A_262 : i32 to index
        %get3A_264 = arith.constant 112 : index
        %get3A_265 = tpu.vector_load %arg7[%get3A_263, %get3A_264] {strides = array<i32>} : memref<144x128xf32, #tpu.memory_space<vmem>>, vector<1x16xf32>,
        %get3A_266 = vector.shape_cast %get3A_265 : vector<1x16xf32> to vector<16xf32>
        %add3A_267 = arith.addf %add3A_260, %get3A_266 : vector<16xf32>
        %swap3A_268 = arith.index_cast %scan3A_88 : i32 to index
        %swap3A_269 = arith.constant 112 : index
        %swap3A_270 = tpu.vector_load %arg8[%swap3A_268, %swap3A_269] {strides = array<i32>} : memref<48x128xf32, #tpu.memory_space<vmem>>, vector<1x16xf32>,
        %swap3A_271 = vector.shape_cast %swap3A_270 : vector<1x16xf32> to vector<16xf32>
        %swap3A_272 = vector.shape_cast %add3A_267 : vector<16xf32> to vector<1x16xf32>
        tpu.vector_store %arg8[%swap3A_268, %swap3A_269], %swap3A_272 {strides = array<i32>} : memref<48x128xf32, #tpu.memory_space<vmem>>, vector<1x16xf32>,
      }
      %scan3A_78 = arith.constant 48 : i32
      %mul3A_79 = arith.constant 66 : i32
      %mul3A_80 = arith.muli %add3A, %mul3A_79 : i32
      %add3A_81 = arith.addi %mul3A_80, %add3A_53 : i32
      %mul3A_82 = arith.constant 48 : i32
      %mul3A_83 = arith.muli %add3A_81, %mul3A_82 : i32
      %dma_start3A_84 = arith.constant 0 : i32
      %dma_start3A_85 = tpu.memref_slice %arg4[%mul3A_83, %dma_start3A_84] : memref<101376x128xf32, #tpu.memory_space<hbm>> -> memref<48x128xf32, #tpu.memory_space<hbm>>
      %dma_start3A_86 = arith.constant 0 : i32
      %dma_start3A_87 = tpu.memref_slice %arg4[%mul3A_83, %dma_start3A_86] : memref<101376x128xf32, #tpu.memory_space<hbm>> -> memref<48x128xf32, #tpu.memory_space<hbm>>
      tpu.enqueue_dma source(%arg8 : memref<48x128xf32, #tpu.memory_space<vmem>>) target(%dma_start3A_87 : memref<48x128xf32, #tpu.memory_space<hbm>>) target_semaphore(%arg11 : memref<!tpu.dma_semaphore, #tpu.memory_space<semaphore_mem>>)
    }
    %scan3A_10 = arith.constant 33 : i32
    %dma_wait3A = arith.constant 0 : i32
    %dma_wait3A_11 = arith.constant 0 : i32
    %dma_wait3A_12 = tpu.memref_slice %arg4[%dma_wait3A, %dma_wait3A_11] : memref<101376x128xf32, #tpu.memory_space<hbm>> -> memref<48x128xf32, #tpu.memory_space<hbm>>
    %dma_wait3A_13 = arith.constant 0 : i32
    %dma_wait3A_14 = arith.constant 0 : i32
    %dma_wait3A_15 = tpu.memref_slice %arg4[%dma_wait3A_13, %dma_wait3A_14] : memref<101376x128xf32, #tpu.memory_space<hbm>> -> memref<48x128xf32, #tpu.memory_space<hbm>>
    tpu.wait_dma2 semaphore(%arg11 : memref<!tpu.dma_semaphore, #tpu.memory_space<semaphore_mem>>) src(%arg8 : memref<48x128xf32, #tpu.memory_space<vmem>>) dst(%dma_wait3A_15 : memref<48x128xf32, #tpu.memory_space<hbm>>)
    return
  }
}

module attributes {stable_mosaic.version = 14 : i64} {
  func.func @body(%arg0: i32, %arg1: memref<2000x128xf32, #tpu.memory_space<vmem>>, %arg2: memref<2000x128xf32, #tpu.memory_space<vmem>>, %arg3: memref<128x128xf32, #tpu.memory_space<vmem>>, %arg4: memref<256x128xf32, #tpu.memory_space<vmem>>, %arg5: memref<1x128xf32, #tpu.memory_space<vmem>>, %arg6: memref<1x128xf32, #tpu.memory_space<vmem>>, %arg7: memref<2000x128xf32, #tpu.memory_space<vmem>>, %arg8: memref<128x128xf32, #tpu.memory_space<vmem>>) attributes {dimension_semantics = [#tpu.dimension_semantics<arbitrary>], iteration_bounds = array<i64: 50>, scalar_prefetch = 0 : i64, scratch_operands = 1 : i64, tpu.core_type = #tpu.core_type<tc>, window_params = [{transform_indices = @transform_0, window_bounds = array<i64: 2000, 128>}, {transform_indices = @transform_1, window_bounds = array<i64: 2000, 128>}, {pipeline_mode = #tpu.pipeline_mode<synchronous>, transform_indices = @transform_2, window_bounds = array<i64: 128, 128>}, {pipeline_mode = #tpu.pipeline_mode<synchronous>, transform_indices = @transform_3, window_bounds = array<i64: 256, 128>}, {pipeline_mode = #tpu.pipeline_mode<synchronous>, transform_indices = @transform_4, window_bounds = array<i64: 1, 128>}, {pipeline_mode = #tpu.pipeline_mode<synchronous>, transform_indices = @transform_5, window_bounds = array<i64: 1, 128>}, {transform_indices = @transform_6, window_bounds = array<i64: 2000, 128>}]} {
    %get3A = arith.constant 0 : index
    %get3A_0 = arith.constant 0 : index
    %get3A_1 = vector.load %arg4[%get3A, %get3A_0] : memref<256x128xf32, #tpu.memory_space<vmem>>, vector<256x128xf32>
    %slice3A = vector.extract_strided_slice %get3A_1 {offsets = [128, 0], sizes = [128, 128], strides = [1, 1]} : vector<256x128xf32> to vector<128x128xf32>
    %eq3A = arith.constant 0 : i32
    %eq3A_2 = arith.cmpi eq, %arg0, %eq3A : i32
    %convert_element_type3A = arith.extui %eq3A_2 : i1 to i32
    %cond3A = arith.constant 0 : i32
    %cond3A_3 = arith.cmpi ne, %convert_element_type3A, %cond3A : i32
    scf.if %cond3A_3 {
      %get3A_33 = arith.constant 0 : index
      %get3A_34 = arith.constant 0 : index
      %get3A_35 = vector.load %arg3[%get3A_33, %get3A_34] : memref<128x128xf32, #tpu.memory_space<vmem>>, vector<128x128xf32>
      %dot_general3A_36 = arith.constant dense<0.000000e+00> : vector<128x128xf32>
      %dot_general3A_37 = tpu.matmul %get3A_35, %slice3A, %dot_general3A_36 {dimension_numbers = #tpu.dot_dimension_numbers<[0], [0], [1], [1], [0, 1, 1, 1], [], []>, transpose_lhs_hint = false} : vector<128x128xf32>, vector<128x128xf32>, vector<128x128xf32> -> vector<128x128xf32>
      %mul3A = arith.constant 0.333333343 : f32
      %mul3A_38 = vector.broadcast %mul3A : f32 to vector<128x128xf32>
      %mul3A_39 = arith.mulf %dot_general3A_37, %mul3A_38 : vector<128x128xf32>
      %swap3A_40 = arith.constant 0 : index
      %swap3A_41 = arith.constant 0 : index
      %swap3A_42 = vector.load %arg8[%swap3A_40, %swap3A_41] : memref<128x128xf32, #tpu.memory_space<vmem>>, vector<128x128xf32>
      tpu.vector_store %arg8[%swap3A_40, %swap3A_41], %mul3A_39 {strides = array<i32>} : memref<128x128xf32, #tpu.memory_space<vmem>>, vector<128x128xf32>,
    } else {
    }
    %get3A_4 = arith.constant 0 : index
    %get3A_5 = arith.constant 0 : index
    %get3A_6 = vector.load %arg5[%get3A_4, %get3A_5] : memref<1x128xf32, #tpu.memory_space<vmem>>, vector<1x128xf32>
    %dot_general3A = arith.constant dense<0.000000e+00> : vector<1x128xf32>
    %dot_general3A_7 = tpu.matmul %get3A_6, %slice3A, %dot_general3A {dimension_numbers = #tpu.dot_dimension_numbers<[1], [0], [0], [1], [0, 0, 1, 1], [], []>, transpose_lhs_hint = false} : vector<1x128xf32>, vector<128x128xf32>, vector<1x128xf32> -> vector<1x128xf32>
    %get3A_8 = arith.constant 0 : index
    %get3A_9 = arith.constant 0 : index
    %get3A_10 = vector.load %arg6[%get3A_8, %get3A_9] : memref<1x128xf32, #tpu.memory_space<vmem>>, vector<1x128xf32>
    %add3A = arith.addf %dot_general3A_7, %get3A_10 : vector<1x128xf32>
    %get3A_11 = arith.constant 0 : index
    %get3A_12 = arith.constant 0 : index
    %get3A_13 = vector.load %arg1[%get3A_11, %get3A_12] : memref<2000x128xf32, #tpu.memory_space<vmem>>, vector<2000x128xf32>
    %get3A_14 = arith.constant 0 : index
    %get3A_15 = arith.constant 0 : index
    %get3A_16 = vector.load %arg4[%get3A_14, %get3A_15] : memref<256x128xf32, #tpu.memory_space<vmem>>, vector<256x128xf32>
    %slice3A_17 = vector.extract_strided_slice %get3A_16 {offsets = [0, 0], sizes = [128, 128], strides = [1, 1]} : vector<256x128xf32> to vector<128x128xf32>
    %dot_general3A_18 = arith.constant dense<0.000000e+00> : vector<2000x128xf32>
    %dot_general3A_19 = tpu.matmul %get3A_13, %slice3A_17, %dot_general3A_18 {dimension_numbers = #tpu.dot_dimension_numbers<[1], [0], [0], [1], [0, 0, 1, 1], [], []>, transpose_lhs_hint = false} : vector<2000x128xf32>, vector<128x128xf32>, vector<2000x128xf32> -> vector<2000x128xf32>
    %get3A_20 = arith.constant 0 : index
    %get3A_21 = arith.constant 0 : index
    %get3A_22 = vector.load %arg2[%get3A_20, %get3A_21] : memref<2000x128xf32, #tpu.memory_space<vmem>>, vector<2000x128xf32>
    %get3A_23 = arith.constant 0 : index
    %get3A_24 = arith.constant 0 : index
    %get3A_25 = vector.load %arg8[%get3A_23, %get3A_24] : memref<128x128xf32, #tpu.memory_space<vmem>>, vector<128x128xf32>
    %dot_general3A_26 = arith.constant dense<0.000000e+00> : vector<2000x128xf32>
    %dot_general3A_27 = tpu.matmul %get3A_22, %get3A_25, %dot_general3A_26 {dimension_numbers = #tpu.dot_dimension_numbers<[1], [0], [0], [1], [0, 0, 1, 1], [], []>, transpose_lhs_hint = false} : vector<2000x128xf32>, vector<128x128xf32>, vector<2000x128xf32> -> vector<2000x128xf32>
    %add3A_28 = arith.addf %dot_general3A_19, %dot_general3A_27 : vector<2000x128xf32>
    %add3A_29 = vector.broadcast %add3A : vector<1x128xf32> to vector<2000x128xf32>
    %add3A_30 = arith.addf %add3A_28, %add3A_29 : vector<2000x128xf32>
    %swap3A = arith.constant 0 : index
    %swap3A_31 = arith.constant 0 : index
    %swap3A_32 = vector.load %arg7[%swap3A, %swap3A_31] : memref<2000x128xf32, #tpu.memory_space<vmem>>, vector<2000x128xf32>
    tpu.vector_store %arg7[%swap3A, %swap3A_31], %add3A_30 {strides = array<i32>} : memref<2000x128xf32, #tpu.memory_space<vmem>>, vector<2000x128xf32>,
    return
  }
  func.func @transform_0(%arg0: i32) -> (i32, i32) {
    %add3A = arith.constant 0 : i32
    %add3A_0 = arith.addi %arg0, %add3A : i32
    %c0_i32 = arith.constant 0 : i32
    %c0_i32_1 = arith.constant 0 : i32
    return %add3A_0, %c0_i32 : i32, i32
  }
  func.func @transform_1(%arg0: i32) -> (i32, i32) {
    %c0_i32 = arith.constant 0 : i32
    %c0_i32_0 = arith.constant 0 : i32
    return %arg0, %c0_i32 : i32, i32
  }
  func.func @transform_2(%arg0: i32) -> (i32, i32) {
    %c0_i32 = arith.constant 0 : i32
    %c0_i32_0 = arith.constant 0 : i32
    %c0_i32_1 = arith.constant 0 : i32
    return %c0_i32, %c0_i32_0 : i32, i32
  }
  func.func @transform_3(%arg0: i32) -> (i32, i32) {
    %c0_i32 = arith.constant 0 : i32
    %c0_i32_0 = arith.constant 0 : i32
    %c0_i32_1 = arith.constant 0 : i32
    return %c0_i32, %c0_i32_0 : i32, i32
  }
  func.func @transform_4(%arg0: i32) -> (i32, i32) {
    %c0_i32 = arith.constant 0 : i32
    %c0_i32_0 = arith.constant 0 : i32
    %c0_i32_1 = arith.constant 0 : i32
    return %c0_i32, %c0_i32_0 : i32, i32
  }
  func.func @transform_5(%arg0: i32) -> (i32, i32) {
    %c0_i32 = arith.constant 0 : i32
    %c0_i32_0 = arith.constant 0 : i32
    %c0_i32_1 = arith.constant 0 : i32
    return %c0_i32, %c0_i32_0 : i32, i32
  }
  func.func @transform_6(%arg0: i32) -> (i32, i32) {
    %add3A = arith.constant 0 : i32
    %add3A_0 = arith.addi %arg0, %add3A : i32
    %c0_i32 = arith.constant 0 : i32
    %c0_i32_1 = arith.constant 0 : i32
    return %add3A_0, %c0_i32 : i32, i32
  }
}

module attributes {stable_mosaic.version = 14 : i64} {
  func.func @body(%arg0: i32, %arg1: memref<2000x128xf32, #tpu.memory_space<vmem>>, %arg2: memref<2000x128xf32, #tpu.memory_space<vmem>>, %arg3: memref<128x128xf32, #tpu.memory_space<vmem>>, %arg4: memref<256x128xf32, #tpu.memory_space<vmem>>, %arg5: memref<1x128xf32, #tpu.memory_space<vmem>>, %arg6: memref<1x128xf32, #tpu.memory_space<vmem>>, %arg7: memref<200000x128xf32, #tpu.memory_space<hbm>>, %arg8: memref<2000x128xf32, #tpu.memory_space<vmem>>, %arg9: memref<128x128xf32, #tpu.memory_space<vmem>>) attributes {dimension_semantics = [#tpu.dimension_semantics<arbitrary>], iteration_bounds = array<i64: 50>, scalar_prefetch = 0 : i64, scratch_operands = 1 : i64, tpu.core_type = #tpu.core_type<tc>, window_params = [{transform_indices = @transform_0, window_bounds = array<i64: 2000, 128>}, {transform_indices = @transform_1, window_bounds = array<i64: 2000, 128>}, {pipeline_mode = #tpu.pipeline_mode<synchronous>, transform_indices = @transform_2, window_bounds = array<i64: 128, 128>}, {pipeline_mode = #tpu.pipeline_mode<synchronous>, transform_indices = @transform_3, window_bounds = array<i64: 256, 128>}, {pipeline_mode = #tpu.pipeline_mode<synchronous>, transform_indices = @transform_4, window_bounds = array<i64: 1, 128>}, {pipeline_mode = #tpu.pipeline_mode<synchronous>, transform_indices = @transform_5, window_bounds = array<i64: 1, 128>}, {}, {transform_indices = @transform_7, window_bounds = array<i64: 2000, 128>}]} {
    %get3A = arith.constant 0 : index
    %get3A_0 = arith.constant 0 : index
    %get3A_1 = vector.load %arg4[%get3A, %get3A_0] : memref<256x128xf32, #tpu.memory_space<vmem>>, vector<256x128xf32>
    %slice3A = vector.extract_strided_slice %get3A_1 {offsets = [128, 0], sizes = [128, 128], strides = [1, 1]} : vector<256x128xf32> to vector<128x128xf32>
    %eq3A = arith.constant 0 : i32
    %eq3A_2 = arith.cmpi eq, %arg0, %eq3A : i32
    %convert_element_type3A = arith.extui %eq3A_2 : i1 to i32
    %cond3A = arith.constant 0 : i32
    %cond3A_3 = arith.cmpi ne, %convert_element_type3A, %cond3A : i32
    scf.if %cond3A_3 {
      %get3A_33 = arith.constant 0 : index
      %get3A_34 = arith.constant 0 : index
      %get3A_35 = vector.load %arg3[%get3A_33, %get3A_34] : memref<128x128xf32, #tpu.memory_space<vmem>>, vector<128x128xf32>
      %dot_general3A_36 = arith.constant dense<0.000000e+00> : vector<128x128xf32>
      %dot_general3A_37 = tpu.matmul %get3A_35, %slice3A, %dot_general3A_36 {dimension_numbers = #tpu.dot_dimension_numbers<[0], [0], [1], [1], [0, 1, 1, 1], [], []>, transpose_lhs_hint = false} : vector<128x128xf32>, vector<128x128xf32>, vector<128x128xf32> -> vector<128x128xf32>
      %mul3A = arith.constant 0.333333343 : f32
      %mul3A_38 = vector.broadcast %mul3A : f32 to vector<128x128xf32>
      %mul3A_39 = arith.mulf %dot_general3A_37, %mul3A_38 : vector<128x128xf32>
      %swap3A_40 = arith.constant 0 : index
      %swap3A_41 = arith.constant 0 : index
      %swap3A_42 = vector.load %arg9[%swap3A_40, %swap3A_41] : memref<128x128xf32, #tpu.memory_space<vmem>>, vector<128x128xf32>
      tpu.vector_store %arg9[%swap3A_40, %swap3A_41], %mul3A_39 {strides = array<i32>} : memref<128x128xf32, #tpu.memory_space<vmem>>, vector<128x128xf32>,
    } else {
    }
    %get3A_4 = arith.constant 0 : index
    %get3A_5 = arith.constant 0 : index
    %get3A_6 = vector.load %arg5[%get3A_4, %get3A_5] : memref<1x128xf32, #tpu.memory_space<vmem>>, vector<1x128xf32>
    %dot_general3A = arith.constant dense<0.000000e+00> : vector<1x128xf32>
    %dot_general3A_7 = tpu.matmul %get3A_6, %slice3A, %dot_general3A {dimension_numbers = #tpu.dot_dimension_numbers<[1], [0], [0], [1], [0, 0, 1, 1], [], []>, transpose_lhs_hint = false} : vector<1x128xf32>, vector<128x128xf32>, vector<1x128xf32> -> vector<1x128xf32>
    %get3A_8 = arith.constant 0 : index
    %get3A_9 = arith.constant 0 : index
    %get3A_10 = vector.load %arg6[%get3A_8, %get3A_9] : memref<1x128xf32, #tpu.memory_space<vmem>>, vector<1x128xf32>
    %add3A = arith.addf %dot_general3A_7, %get3A_10 : vector<1x128xf32>
    %get3A_11 = arith.constant 0 : index
    %get3A_12 = arith.constant 0 : index
    %get3A_13 = vector.load %arg1[%get3A_11, %get3A_12] : memref<2000x128xf32, #tpu.memory_space<vmem>>, vector<2000x128xf32>
    %get3A_14 = arith.constant 0 : index
    %get3A_15 = arith.constant 0 : index
    %get3A_16 = vector.load %arg4[%get3A_14, %get3A_15] : memref<256x128xf32, #tpu.memory_space<vmem>>, vector<256x128xf32>
    %slice3A_17 = vector.extract_strided_slice %get3A_16 {offsets = [0, 0], sizes = [128, 128], strides = [1, 1]} : vector<256x128xf32> to vector<128x128xf32>
    %dot_general3A_18 = arith.constant dense<0.000000e+00> : vector<2000x128xf32>
    %dot_general3A_19 = tpu.matmul %get3A_13, %slice3A_17, %dot_general3A_18 {dimension_numbers = #tpu.dot_dimension_numbers<[1], [0], [0], [1], [0, 0, 1, 1], [], []>, transpose_lhs_hint = false} : vector<2000x128xf32>, vector<128x128xf32>, vector<2000x128xf32> -> vector<2000x128xf32>
    %get3A_20 = arith.constant 0 : index
    %get3A_21 = arith.constant 0 : index
    %get3A_22 = vector.load %arg2[%get3A_20, %get3A_21] : memref<2000x128xf32, #tpu.memory_space<vmem>>, vector<2000x128xf32>
    %get3A_23 = arith.constant 0 : index
    %get3A_24 = arith.constant 0 : index
    %get3A_25 = vector.load %arg9[%get3A_23, %get3A_24] : memref<128x128xf32, #tpu.memory_space<vmem>>, vector<128x128xf32>
    %dot_general3A_26 = arith.constant dense<0.000000e+00> : vector<2000x128xf32>
    %dot_general3A_27 = tpu.matmul %get3A_22, %get3A_25, %dot_general3A_26 {dimension_numbers = #tpu.dot_dimension_numbers<[1], [0], [0], [1], [0, 0, 1, 1], [], []>, transpose_lhs_hint = false} : vector<2000x128xf32>, vector<128x128xf32>, vector<2000x128xf32> -> vector<2000x128xf32>
    %add3A_28 = arith.addf %dot_general3A_19, %dot_general3A_27 : vector<2000x128xf32>
    %add3A_29 = vector.broadcast %add3A : vector<1x128xf32> to vector<2000x128xf32>
    %add3A_30 = arith.addf %add3A_28, %add3A_29 : vector<2000x128xf32>
    %swap3A = arith.constant 0 : index
    %swap3A_31 = arith.constant 0 : index
    %swap3A_32 = vector.load %arg8[%swap3A, %swap3A_31] : memref<2000x128xf32, #tpu.memory_space<vmem>>, vector<2000x128xf32>
    tpu.vector_store %arg8[%swap3A, %swap3A_31], %add3A_30 {strides = array<i32>} : memref<2000x128xf32, #tpu.memory_space<vmem>>, vector<2000x128xf32>,
    return
  }
  func.func @transform_0(%arg0: i32) -> (i32, i32) {
    %add3A = arith.constant 50 : i32
    %add3A_0 = arith.addi %arg0, %add3A : i32
    %c0_i32 = arith.constant 0 : i32
    %c0_i32_1 = arith.constant 0 : i32
    return %add3A_0, %c0_i32 : i32, i32
  }
  func.func @transform_1(%arg0: i32) -> (i32, i32) {
    %c0_i32 = arith.constant 0 : i32
    %c0_i32_0 = arith.constant 0 : i32
    return %arg0, %c0_i32 : i32, i32
  }
  func.func @transform_2(%arg0: i32) -> (i32, i32) {
    %c0_i32 = arith.constant 0 : i32
    %c0_i32_0 = arith.constant 0 : i32
    %c0_i32_1 = arith.constant 0 : i32
    return %c0_i32, %c0_i32_0 : i32, i32
  }
  func.func @transform_3(%arg0: i32) -> (i32, i32) {
    %c0_i32 = arith.constant 0 : i32
    %c0_i32_0 = arith.constant 0 : i32
    %c0_i32_1 = arith.constant 0 : i32
    return %c0_i32, %c0_i32_0 : i32, i32
  }
  func.func @transform_4(%arg0: i32) -> (i32, i32) {
    %c0_i32 = arith.constant 0 : i32
    %c0_i32_0 = arith.constant 0 : i32
    %c0_i32_1 = arith.constant 0 : i32
    return %c0_i32, %c0_i32_0 : i32, i32
  }
  func.func @transform_5(%arg0: i32) -> (i32, i32) {
    %c0_i32 = arith.constant 0 : i32
    %c0_i32_0 = arith.constant 0 : i32
    %c0_i32_1 = arith.constant 0 : i32
    return %c0_i32, %c0_i32_0 : i32, i32
  }
  func.func @transform_7(%arg0: i32) -> (i32, i32) {
    %add3A = arith.constant 50 : i32
    %add3A_0 = arith.addi %arg0, %add3A : i32
    %c0_i32 = arith.constant 0 : i32
    %c0_i32_1 = arith.constant 0 : i32
    return %add3A_0, %c0_i32 : i32, i32
  }
}

</mosaic_0001>

<sc_bundles>
// kernel: kernel.6.cloned.1.call-start
scs
__scs_entry_jumppad:
0x0: {  	(pc) =	sbr.rel $0x88, $3  }
0x1: {  	(tag) =	ssettag $0x0;
	lr =	simm.s32 $0x1  }
0x2: {  	[smem:$0x3F9B] =	sst lr;
	_ =	strace $0xD0000000  }
0x3: {  	_ = 	snop  }
0x4: {  	_ = 	snop  }
0x5: {  	_ = 	snop  }
0x6: {  	_ = 	snop  }
0x7: {  	_ = 	snop  }
__scs_overlays_trampoline_lowered:
0x8: {  	[smem:$0x3FAA] =	sst s0  }
0x9: {  	[smem:$0x3FAB] =	sst s1  }
0xa: {  	[smem:$0x3FAC] =	sst s2  }
0xb: {  	[smem:$0x3FAD] =	sst s3  }
0xc: {  	[smem:$0x3FAE] =	sst s4  }
0xd: {  	[smem:$0x3FAF] =	sst s5  }
0xe: {  	[smem:$0x3FB0] =	sst s6  }
0xf: {  	[smem:$0x3FB1] =	sst s7  }
0x10: {  	[smem:$0x3FB2] =	sst s8  }
0x11: {  	[smem:$0x3FB3] =	sst s9;
	s0 =	simm.s32 @!p0 $0x0  }
0x12: {  	s1 =	sld [smem:$0x3F99];
	s0 =	simm.s32 @p0 $0x1  }
0x13: {  	[smem:$0x3FB4] =	sst s0;
	s0 =	simm.s32 @!p1 $0x0  }
0x14: {  	s2 =	sld [smem:$0x3F98];
	s0 =	simm.s32 @p1 $0x1  }
0x15: {  	[smem:$0x3FB5] =	sst s0;
	s0 =	simm.s32 @!p2 $0x0  }
0x16: {  	s3 =	sld [smem:$0x3FDB];
	s0 =	simm.s32 @p2 $0x1  }
0x17: {  	s4 =	simm.s32 $0x1BF5;
	[smem:$0x3FB7] =	sst s0  }
0x18: {  	s0 =	sld [smem:$0x3F9A];
	_ =	swait.ge [sflag:s4], $0x0  }
0x19: {  	s7 =	sld [smem:$0x3F9B]  }
0x1a: {  	s8 =	sadd.s32 $0xFFFFE003, lr  }
0x1b: {  	s9 =	sadd.s32 $0xFFFFFEF7, lr;
	s5 =	simm.s32 $0xFFFFFFFF;
	p2 =	slt.u32 s8, $0xFFFFF086  }
0x1c: {  	p1 =	slt.u32 s9, $0xF7A;
	s5 =	simm.s32 @!p2 $0x0  }
0x1d: {  	s5 =	simm.s32 @p1 $0x1;
	p0 =	seq.s32 s7, s2  }
0x1e: {  	s7 =	smul.u32 @!p0 $0xF7A, s2;
	p2 =	seq.s32 @!p0 s5, $0x0  }
0x1f: {  	s9 =	smul.u32 $0xF7A, s1;
	s8 =	simm.s32 @!p0 $0x1BF5;
	p2 =	por !p2, p0  }
0x20: {  	[sflag:s8] =	ssyncset.s32 @!p0 $0xFFFFF086;
	s6 =	sadd.s32 @!p0 s3, s7;
	s7 =	simm.s32 @!p0 $0x108  }
0x21: {  	s3 =	sadd.s32 s3, s9;
	s6 =	sadd.s32 @!p0 $0x88, s6;
	s7 =	simm.s32 @p2 $0x1082  }
0x22: {  	[simem:s7], [sflag:s8] =	dma.local @!p0 [hbm:s6], $0xF7A  }
0x23: {  	s9 =	sor.u32 $0xD0000000, s2;
	s6 =	simm.s32 $0x108;
	_ =	swait.ge @!p0 [sflag:s8], $0x0  }
0x24: {  	s3 =	sadd.s32 $0x88, s3;
	s6 =	simm.s32 @!p1 $0x1082;
	[sflag:s4] =	ssyncset.s32 $0xFFFFF086  }
0x25: {  	[simem:s6], [sflag:s4] =	dma.local [hbm:s3], $0xF7A  }
0x26: {  	[smem:$0x3F9B] =	sst s1;
	(tag) =	ssettag s2;
	_ =	strace s9  }
0x27: {  	s1 =	sld [smem:$0x3FAB]  }
0x28: {  	s2 =	sld [smem:$0x3FAC]  }
0x29: {  	s4 =	sld [smem:$0x3FAE]  }
0x2a: {  	p0 =	seq.s32 s5, $0x0;
	s5 =	sld [smem:$0x3FAF]  }
0x2b: {  	s6 =	sld [smem:$0x3FB0]  }
0x2c: {  	s7 =	sld [smem:$0x3FB1]  }
0x2d: {  	s3 =	simm.s32 $0x108;
	s8 =	sld [smem:$0x3FB2]  }
0x2e: {  	s3 =	simm.s32 @!p0 $0x1082;
	s9 =	sld [smem:$0x3FB3]  }
0x2f: {  	lr =	sadd.s32 s0, s3;
	s0 =	sld [smem:$0x3FAA]  }
0x30: {  	s3 =	sld [smem:$0x3FAD]  }
0x31: {  	[smem:$0x3FB6] =	sst s10  }
0x32: {  	s10 =	sld [smem:$0x3FB4];
	_ =	sdelay $0x3  }
0x33: {  	p0 =	seq.s32 s10, $0x1;
	s10 =	sld [smem:$0x3FB6];
	_ =	sdelay $0x3  }
0x34: {  	[smem:$0x3FB6] =	sst s10  }
0x35: {  	s10 =	sld [smem:$0x3FB5];
	_ =	sdelay $0x3  }
0x36: {  	p1 =	seq.s32 s10, $0x1;
	s10 =	sld [smem:$0x3FB6];
	_ =	sdelay $0x3  }
0x37: {  	[smem:$0x3FB6] =	sst s10  }
0x38: {  	s10 =	sld [smem:$0x3FB7]  }
0x39: {  	_ = 	snop;
	(pc) =	sbr.ind lr, $3  }
0x3a: {  	_ = 	snop  }
0x3b: {  	_ = 	snop  }
0x3c: {  	p2 =	seq.s32 s10, $0x1;
	s10 =	sld [smem:$0x3FB6]  }
0x3d: {  	_ =	shalt  }
0x3e: {  	_ =	shalt  }
0x3f: {  	_ =	shalt  }
0x40: {  	_ =	shalt  }
0x41: {  	_ =	shalt  }
0x42: {  	_ =	shalt  }
0x43: {  	_ =	shalt  }
0x44: {  	_ =	shalt  }
0x45: {  	_ =	shalt  }
0x46: {  	_ =	shalt  }
0x47: {  	_ =	shalt  }
0x48: {  	_ =	shalt  }
0x49: {  	_ =	shalt  }
0x4a: {  	_ =	shalt  }
0x4b: {  	_ =	shalt  }
0x4c: {  	_ =	shalt  }
0x4d: {  	_ =	shalt  }
0x4e: {  	_ =	shalt  }
0x4f: {  	_ =	shalt  }
0x50: {  	_ =	shalt  }
0x51: {  	_ =	shalt  }
0x52: {  	_ =	shalt  }
0x53: {  	_ =	shalt  }
0x54: {  	_ =	shalt  }
0x55: {  	_ =	shalt  }
0x56: {  	_ =	shalt  }
0x57: {  	_ =	shalt  }
0x58: {  	_ =	shalt  }
0x59: {  	_ =	shalt  }
0x5a: {  	_ =	shalt  }
0x5b: {  	_ =	shalt  }
0x5c: {  	_ =	shalt  }
0x5d: {  	_ =	shalt  }
0x5e: {  	_ =	shalt  }
0x5f: {  	_ =	shalt  }
0x60: {  	_ =	shalt  }
0x61: {  	_ =	shalt  }
0x62: {  	_ =	shalt  }
0x63: {  	_ =	shalt  }
0x64: {  	_ =	shalt  }
0x65: {  	_ =	shalt  }
0x66: {  	_ =	shalt  }
0x67: {  	_ =	shalt  }
0x68: {  	_ =	shalt  }
0x69: {  	_ =	shalt  }
0x6a: {  	_ =	shalt  }
0x6b: {  	_ =	shalt  }
0x6c: {  	_ =	shalt  }
0x6d: {  	_ =	shalt  }
0x6e: {  	_ =	shalt  }
0x6f: {  	_ =	shalt  }
0x70: {  	_ =	shalt  }
0x71: {  	_ =	shalt  }
0x72: {  	_ =	shalt  }
0x73: {  	_ =	shalt  }
0x74: {  	_ =	shalt  }
0x75: {  	_ =	shalt  }
0x76: {  	_ =	shalt  }
0x77: {  	_ =	shalt  }
0x78: {  	_ =	shalt  }
0x79: {  	_ =	shalt  }
0x7a: {  	_ =	shalt  }
0x7b: {  	_ =	shalt  }
0x7c: {  	_ =	shalt  }
0x7d: {  	_ =	shalt  }
0x7e: {  	_ =	shalt  }
0x7f: {  	_ =	shalt  }
0x80: {  	_ =	shalt  }
0x81: {  	_ =	shalt  }
0x82: {  	_ =	shalt  }
0x83: {  	_ =	shalt  }
0x84: {  	_ =	shalt  }
0x85: {  	_ =	shalt  }
0x86: {  	_ =	shalt  }
0x87: {  	_ =	shalt  }
.Lfunc_end0:
.L_simem_size_0:
called_computation_lowered:
.L_overlay_start_0:
0x88: {  	s2 =	sld [smem:$0x3FD9]  }
0x89: {  	s3 =	sld [smem:$0x3FFE];
	_ =	sdelay $0x1  }
0x8a: {  	s1 =	srdreg.scid  }
0x8b: {  	s0 =	sand.u32 $0x1, s1  }
0x8c: {  	s17 =	sshll.u32 s0, $0xA;
	s2 =	sadd.s32 s3, s2  }
0x8d: {  	s2 =	sadd.s32 s2, s17  }
0x8e: {  	[smem:$0x3FC2] =	sst s2  }
0x8f: {  	_ = 	snop  }
0x90: {  	s2 =	sld [smem:$0x3FC9]  }
0x91: {  	s18 =	sld [smem:$0x3FD0];
	(tm) =	ssettm $0x1  }
0x92: {  	s4 =	sld [smem:$0x3FFB];
	_ =	sdelay $0x3  }
0x93: {  	_ =	strace s4  }
0x94: {  	s4 =	sld [smem:$0x3FFC];
	_ =	sdelay $0x3  }
0x95: {  	_ =	strace s4  }
0x96: {  	s4 =	sld [smem:$0x3FFD];
	_ =	sdelay $0x3  }
0x97: {  	_ =	strace s4  }
0x98: {  	_ =	strace $0x8FFFFFFF  }
0x99: {  	s19 =	sld [smem:$0x3FDB];
	_ =	sdelay $0x1  }
0x9a: {  	s5 =	simm.s32 $_scs_section_size  }
0x9b: {  	s6 =	simm.s32 $_size__tile_overlayer_lowered;
	s7 =	simm.s32 $_tile_overlayer_lowered  }
0x9c: {  	s22 =	simm.s32 $0x1BFF;
	s21 =	sshll.u32 s7, $0x1;
	s4 =	sadd.s32 s5, s19  }
0x9d: {  	s8 =	simm.s32 $0x0;
	s20 =	sshll.u32 s6, $0x1;
	s6 =	sadd.s32 s21, s4  }
0x9e: {  	[timem:s8], [sflag:s22] =	dma.local [hbm:s6], s20  }
0x9f: {  	_ =	swait.ge [sflag:s22], s20  }
0xa0: {  	s5 =	ssub.s32 $0x0, s20;
	[sflag:s22] =	ssyncset.done $0x0  }
0xa1: {  	[sflag:s22] =	ssyncadd.s32 s5;
	_ =	sdelay $0x1  }
0xa2: {  	s23 =	simm.s32 $0x1B8B  }
0xa3: {  	_ =	swait.ge [sflag:s23], $0x1  }
0xa4: {  	[sflag:s23] =	ssyncset.done $0x0  }
0xa5: {  	s25 =	simm.s32 $0x1B8E;
	s24 =	sld [smem:$0x3FFE];
	[sflag:s23] =	ssyncadd.s32 $0xFFFFFFFF  }
0xa6: {  	s26 =	simm.s32 $execute0_lowered;
	[smem:$0x3FD2] =	sst s25  }
0xa7: {  	s6 =	sshll.u32 s26, $0x1;
	_ =	strace $0x80000046;
	[dreg:$0x1] =	wrdreg $0xFFFFFFFF  }
0xa8: {  	s28 =	simm.s32 $_size_execute0_lowered;
	s4 =	sadd.s32 s4, s6;
	[dreg:$0x0] =	wrdreg $0x0  }
0xa9: {  	s6 =	sshll.u32 s28, $0x1;
	[dreg:$0x2] =	wrdreg s4  }
0xaa: {  	[dreg:$0x3] =	wrdreg s6  }
0xab: {  	[dreg:$0x4] =	wrdreg $0xC0  }
0xac: {  	_ =	task [dreg:s8], $0x5FFFF  }
0xad: {  	[dreg:$0x1] =	wrdreg $0xFFFFFFFF  }
0xae: {  	[dreg:$0x0] =	wrdreg $0x60  }
0xaf: {  	[dreg:$0x2] =	wrdreg s2  }
0xb0: {  	[dreg:$0x3] =	wrdreg s18  }
0xb1: {  	[dreg:$0x4] =	wrdreg s24  }
0xb2: {  	[dreg:$0x5] =	wrdreg $0x9  }
0xb3: {  	_ =	task.clear_ibuf [dreg:s8], $0x6FFFF;
	_ =	strace $0x90000046  }
0xb4: {  	s29 =	simm.s32 $0x9;
	_ =	strace $0x80000048  }
0xb5: {  	_ =	swait.ge [sflag:s29], $0x1  }
0xb6: {  	[sflag:s29] =	ssyncadd.s32 $0xFFFFFFFF  }
0xb7: {  	_ =	strace $0x90000048  }
0xb8: {  	_ =	sfence  }
0xb9: {  	s30 =	sld [smem:$0x0];
	_ =	sdelay $0x2  }
0xba: {  	s31 =	sshll.u32 s1, $0xD;
	s1 =	sshrl.u32 s1, $0x2  }
0xbb: {  	s3 =	sand.u32 $0x4000, s31;
	s1 =	sadd.s32 s1, s30  }
0xbc: {  	s0 =	sor.u32 s3, s0;
	s1 =	sshll.u32 s1, $0x11  }
0xbd: {  	s0 =	sor.u32 s1, s0  }
0xbe: {  	s0 =	sadd.s32 $0x8F2B, s0  }
0xbf: {  	[sflag:s0] =	ssyncadd.remote.s32 $0x1  }
0xc0: {  	_ =	sfence.sel $0xFFFF  }
0xc1: {  	[dreg:$0x0] =	wrdreg $0xFFFFFFFF;
	(pc) =	sbr.abs _section_cstart, $3  }
0xc2: {  	[dreg:$0x1] =	wrdreg $0xFFFFFFFF  }
0xc3: {  	_ =	task.clear_ibuf [dreg:s8], $0x2FFFF;
	_ =	strace $0x9FFFFFFF  }
0xc4: {  	(tm) =	ssettm $0x7FFFFFFF  }
0xc5: {  	_ =	shalt  }
tec
execute0_lowered:
.L_overlay_start_1:
0x0: {  	(tag) =	ssettag $0x1  }
0x1: {  	s2 =	rddreg [dreg:$0x0]  }
0x2: {  	s5 =	rddreg [dreg:$0x1]  }
0x3: {  	s4 =	rddreg [dreg:$0x2]  }
0x4: {  	s3 =	srdreg.scid;
	s1 =	stileid.u32  }
0x5: {  	s0 =	rddreg [dreg:$0x3];
	s10 =	simm.s32 $0x2580;
	s11 =	simm.s32 $0x6D80  }
0x6: {  	s12 =	simm.s32 $0x1;
	s13 =	simm.s32 $0xB580;
	s14 =	simm.s32 $0x2  }
0x7: {  	s15 =	simm.s32 $0x3;
	s16 =	simm.s32 $0x0;
	s6 =	sand.u32 $0x1, s3  }
0x8: {  	s7 =	sshll.u32 s1, $0x1;
	s3 =	simm.s32 $0x0;
	s4 =	sadd.s32 $0xA800, s4  }
0x9: {  	s8 =	ssub.s32 $0x2, s6;
	s6 =	sor.u32 s6, s7;
	[smem:$0x7FF] =	sst s3  }
0xa: {  	s31 =	sshrl.u32 s8, $0x1;
	s9 =	smul.u32 $0x4A4, s6;
	_ =	strace $0x80000047  }
0xb: {  	s6 =	smul.u32 $0x42, s6;
	s7 =	ssub.s32 s8, s31;
	s8 =	simm.s32 $0x4  }
0xc: {  	s5 =	sadd.s32 s5, s9;
	s7 =	smax.u32 s7, $0x1;
	s9 =	simm.s32 $0x90  }
.LBB2_1:
0xd: {  	[tilespmem:s3], [sflag:$0x4] =	stream.linear.gather [hbm4b:s5+s3], $0x2520, $0x38;
	[tilespmem:$0xCD80] =	vst v63  }
0xe: {  	_ =	swait.ge [sflag:s8], $0x2520  }
0xf: {  	[sflag:s8] =	ssyncset.done $0x0  }
0x10: {  	s17 =	simm.s32 $0x0;
	[sflag:s8] =	ssyncadd.s32 $0xFFFFDAE0  }
0x11: {  	[tilespmem:s10], [sflag:$0x1] =	stream.indirect.gather [hbm4b:s2+s9], $0x80, s3, s9, $0xb8;
	[tilespmem:$0xCD80] =	vst v63  }
.LBB2_2:
0x12: {  	s18 =	sshllo.u32 s17, $0x1  }
0x13: {  	s19 =	smul.u32 $0x240, s18;
	_ =	sdelay $0x1  }
0x14: {  	s19 =	sshra.s32 s19, $0x2  }
0x15: {  	[tilespmem:s11], [sflag:$0x2] =	stream.indirect.gather [hbm4b:s2+s9], $0x80, s19, s9, $0xb8;
	[tilespmem:$0xCD80] =	vst v63  }
0x16: {  	_ =	swait.ge [sflag:s12], $0x4800  }
0x17: {  	p0 =	seq.s32 s17, $0x0;
	[sflag:s12] =	ssyncset.done $0x0  }
0x18: {  	s19 =	simm.s32 @!p0 $0x3;
	[sflag:s12] =	ssyncadd.s32 $0xFFFFB800  }
0x19: {  	_ =	swait.ge @!p0 [sflag:s19], $0x1800  }
0x1a: {  	[sflag:s19] =	ssyncset.done @!p0 $0x0  }
0x1b: {  	[sflag:s19] =	ssyncadd.s32 @!p0 $0xFFFFE800;
	s19 =	simm.s32 $0x2640  }
0x1c: {  	v0 =	vld [tilespmem:s19+$0xFFFFFFC0]  }
0x1d: {  	v1 =	vld [tilespmem:s19+$0xFFFFFF40];
	_ =	sdelay $0x1  }
0x1e: {  	v2 =	vld [tilespmem:s19+$0x40];
	_ =	sdelay $0x2  }
0x1f: {  	v0 =	vadd.f32 v0, v1;
	_ =	sdelay $0x1  }
0x20: {  	v0 =	vadd.f32 v2, v0  }
0x21: {  	s20 =	simm.s32 $0x0  }
0x22: {  	[tilespmem:s20+$0xB580] =	vst v0  }
0x23: {  	v0 =	vld [tilespmem:s19+$0xFFFFFF50]  }
0x24: {  	v1 =	vld [tilespmem:s19+$0xFFFFFFD0];
	_ =	sdelay $0x1  }
0x25: {  	v2 =	vld [tilespmem:s19+$0x50];
	_ =	sdelay $0x2  }
0x26: {  	v0 =	vadd.f32 v1, v0;
	_ =	sdelay $0x1  }
0x27: {  	v0 =	vadd.f32 v2, v0;
	_ =	sdelay $0x1  }
0x28: {  	[tilespmem:s20+$0xB590] =	vst v0  }
0x29: {  	v0 =	vld [tilespmem:s19+$0xFFFFFF60]  }
0x2a: {  	v1 =	vld [tilespmem:s19+$0xFFFFFFE0];
	_ =	sdelay $0x1  }
0x2b: {  	v2 =	vld [tilespmem:s19+$0x60];
	_ =	sdelay $0x2  }
0x2c: {  	v0 =	vadd.f32 v1, v0;
	_ =	sdelay $0x1  }
0x2d: {  	v0 =	vadd.f32 v2, v0;
	_ =	sdelay $0x1  }
0x2e: {  	[tilespmem:s20+$0xB5A0] =	vst v0  }
0x2f: {  	v0 =	vld [tilespmem:s19+$0xFFFFFF70]  }
0x30: {  	v1 =	vld [tilespmem:s19+$0xFFFFFFF0];
	_ =	sdelay $0x1  }
0x31: {  	v2 =	vld [tilespmem:s19+$0x70];
	_ =	sdelay $0x2  }
0x32: {  	v0 =	vadd.f32 v1, v0;
	_ =	sdelay $0x1  }
0x33: {  	v0 =	vadd.f32 v2, v0;
	_ =	sdelay $0x1  }
0x34: {  	[tilespmem:s20+$0xB5B0] =	vst v0  }
0x35: {  	v0 =	vld [tilespmem:s19+$0xFFFFFF80]  }
0x36: {  	v1 =	vld [tilespmem:s19+$0x0];
	_ =	sdelay $0x1  }
0x37: {  	v2 =	vld [tilespmem:s19+$0x80];
	_ =	sdelay $0x2  }
0x38: {  	v0 =	vadd.f32 v1, v0;
	_ =	sdelay $0x1  }
0x39: {  	v0 =	vadd.f32 v2, v0;
	_ =	sdelay $0x1  }
0x3a: {  	[tilespmem:s20+$0xB5C0] =	vst v0  }
0x3b: {  	v0 =	vld [tilespmem:s19+$0xFFFFFF90]  }
0x3c: {  	v1 =	vld [tilespmem:s19+$0x10];
	_ =	sdelay $0x1  }
0x3d: {  	v2 =	vld [tilespmem:s19+$0x90];
	_ =	sdelay $0x2  }
0x3e: {  	v0 =	vadd.f32 v1, v0;
	_ =	sdelay $0x1  }
0x3f: {  	v0 =	vadd.f32 v2, v0;
	_ =	sdelay $0x1  }
0x40: {  	[tilespmem:s20+$0xB5D0] =	vst v0  }
0x41: {  	v0 =	vld [tilespmem:s19+$0xFFFFFFA0]  }
0x42: {  	v1 =	vld [tilespmem:s19+$0x20];
	_ =	sdelay $0x1  }
0x43: {  	v2 =	vld [tilespmem:s19+$0xA0];
	_ =	sdelay $0x2  }
0x44: {  	v0 =	vadd.f32 v1, v0;
	_ =	sdelay $0x1  }
0x45: {  	v0 =	vadd.f32 v2, v0;
	_ =	sdelay $0x1  }
0x46: {  	[tilespmem:s20+$0xB5E0] =	vst v0  }
0x47: {  	v0 =	vld [tilespmem:s19+$0xFFFFFFB0]  }
0x48: {  	s21 =	sshll.u32 s17, $0x1;
	s22 =	simm.s32 $0x200;
	v1 =	vld [tilespmem:s19+$0x30]  }
.LBB2_3:
0x49: {  	p0 =	sne.s32 s22, $0x5E00  }
0x4a: {  	v2 =	vld [tilespmem:s19+$0xB0];
	s19 =	sadd.s32 $0x180, s19;
	s23 =	smov.u32 s22;
	s22 =	sadd.s32 $0x200, s22  }
0x4b: {  	_ =	sdelay $0x2  }
0x4c: {  	v0 =	vadd.f32 v1, v0;
	_ =	sdelay $0x1  }
0x4d: {  	v0 =	vadd.f32 v2, v0;
	_ =	sdelay $0x1  }
0x4e: {  	[tilespmem:s20+$0xB5F0] =	vst v0  }
0x4f: {  	v0 =	vld [tilespmem:s19+$0xFFFFFFC0]  }
0x50: {  	v1 =	vld [tilespmem:s19+$0xFFFFFF40]  }
0x51: {  	v2 =	vld [tilespmem:s19+$0x40];
	_ =	sdelay $0x3  }
0x52: {  	v0 =	vadd.f32 v0, v1;
	_ =	sdelay $0x1  }
0x53: {  	v0 =	vadd.f32 v2, v0  }
0x54: {  	s20 =	sshra.s32 s23, $0x2  }
0x55: {  	[tilespmem:s20+$0xB580] =	vst v0  }
0x56: {  	v0 =	vld [tilespmem:s19+$0xFFFFFF50]  }
0x57: {  	v1 =	vld [tilespmem:s19+$0xFFFFFFD0];
	_ =	sdelay $0x1  }
0x58: {  	v2 =	vld [tilespmem:s19+$0x50];
	_ =	sdelay $0x2  }
0x59: {  	v0 =	vadd.f32 v1, v0;
	_ =	sdelay $0x1  }
0x5a: {  	v0 =	vadd.f32 v2, v0;
	_ =	sdelay $0x1  }
0x5b: {  	[tilespmem:s20+$0xB590] =	vst v0  }
0x5c: {  	v0 =	vld [tilespmem:s19+$0xFFFFFF60]  }
0x5d: {  	v1 =	vld [tilespmem:s19+$0xFFFFFFE0];
	_ =	sdelay $0x1  }
0x5e: {  	v2 =	vld [tilespmem:s19+$0x60];
	_ =	sdelay $0x2  }
0x5f: {  	v0 =	vadd.f32 v1, v0;
	_ =	sdelay $0x1  }
0x60: {  	v0 =	vadd.f32 v2, v0;
	_ =	sdelay $0x1  }
0x61: {  	[tilespmem:s20+$0xB5A0] =	vst v0  }
0x62: {  	v0 =	vld [tilespmem:s19+$0xFFFFFF70]  }
0x63: {  	v1 =	vld [tilespmem:s19+$0xFFFFFFF0];
	_ =	sdelay $0x1  }
0x64: {  	v2 =	vld [tilespmem:s19+$0x70];
	_ =	sdelay $0x2  }
0x65: {  	v0 =	vadd.f32 v1, v0;
	_ =	sdelay $0x1  }
0x66: {  	v0 =	vadd.f32 v2, v0;
	_ =	sdelay $0x1  }
0x67: {  	[tilespmem:s20+$0xB5B0] =	vst v0  }
0x68: {  	v0 =	vld [tilespmem:s19+$0xFFFFFF80]  }
0x69: {  	v1 =	vld [tilespmem:s19+$0x0]  }
0x6a: {  	v2 =	vld [tilespmem:s19+$0x80];
	_ =	sdelay $0x3  }
0x6b: {  	v0 =	vadd.f32 v1, v0;
	_ =	sdelay $0x1  }
0x6c: {  	v0 =	vadd.f32 v2, v0;
	_ =	sdelay $0x1  }
0x6d: {  	[tilespmem:s20+$0xB5C0] =	vst v0  }
0x6e: {  	v0 =	vld [tilespmem:s19+$0xFFFFFF90]  }
0x6f: {  	v1 =	vld [tilespmem:s19+$0x10]  }
0x70: {  	v2 =	vld [tilespmem:s19+$0x90];
	_ =	sdelay $0x3  }
0x71: {  	v0 =	vadd.f32 v1, v0;
	_ =	sdelay $0x1  }
0x72: {  	v0 =	vadd.f32 v2, v0;
	_ =	sdelay $0x1  }
0x73: {  	[tilespmem:s20+$0xB5D0] =	vst v0  }
0x74: {  	v0 =	vld [tilespmem:s19+$0xFFFFFFA0]  }
0x75: {  	v1 =	vld [tilespmem:s19+$0x20]  }
0x76: {  	v2 =	vld [tilespmem:s19+$0xA0];
	_ =	sdelay $0x3  }
0x77: {  	v0 =	vadd.f32 v1, v0;
	_ =	sdelay $0x1  }
.Ltmp0:
0x78: {  	v0 =	vadd.f32 v2, v0;
	(pc) =	sbr.rel @p0 .LBB2_3-.Ltmp0, $4  }
0x79: {  	_ = 	snop  }
0x7a: {  	[tilespmem:s20+$0xB5E0] =	vst v0  }
0x7b: {  	v0 =	vld [tilespmem:s19+$0xFFFFFFB0]  }
0x7c: {  	v1 =	vld [tilespmem:s19+$0x30]  }
0x7d: {  	_ = 	snop  }
0x7e: {  	v2 =	vld [tilespmem:s19+$0xB0];
	_ =	sdelay $0x2  }
0x7f: {  	v0 =	vadd.f32 v1, v0  }
0x80: {  	s31 =	sadd.s32 s6, s21  }
0x81: {  	s19 =	smul.u32 $0x300, s31;
	v0 =	vadd.f32 v2, v0  }
0x82: {  	p0 =	seq.s32 s17, $0x20  }
0x83: {  	s19 =	sadd.s32 s4, s19;
	[tilespmem:s20+$0xB5F0] =	vst v0;
	s20 =	smul.u32 @!p0 $0x480, s17  }
0x84: {  	[hbm4b:s19+s3] =	stream.linear.scatter [tilespmem:s13], [sflag:$0x3], $0x1800, $0x38;
	[tilespmem:$0xCD80] =	vst v63  }
0x85: {  	s19 =	sshra.s32 @!p0 s20, $0x2  }
0x86: {  	s21 =	simm.s32 @!p0 $0x2580;
	s20 =	simm.s32 @!p0 $0x90;
	s19 =	sadd.s32 @!p0 $0x120, s19  }
0x87: {  	[tilespmem:s21], [sflag:$0x1] =	stream.indirect.gather @!p0 [hbm4b:s2+s20], $0x80, s19, s20, $0xb8;
	[tilespmem:$0xCD80] =	vst v63  }
0x88: {  	_ =	swait.ge [sflag:s14], $0x4800  }
0x89: {  	[sflag:s14] =	ssyncset.done $0x0  }
0x8a: {  	[sflag:s14] =	ssyncadd.s32 $0xFFFFB800  }
0x8b: {  	_ =	swait.ge [sflag:s15], $0x1800  }
0x8c: {  	[sflag:s15] =	ssyncset.done $0x0  }
0x8d: {  	s19 =	simm.s32 $0x6E40;
	[sflag:s15] =	ssyncadd.s32 $0xFFFFE800  }
0x8e: {  	v0 =	vld [tilespmem:s19+$0xFFFFFFC0]  }
0x8f: {  	v1 =	vld [tilespmem:s19+$0xFFFFFF40];
	_ =	sdelay $0x1  }
0x90: {  	v2 =	vld [tilespmem:s19+$0x40];
	_ =	sdelay $0x2  }
0x91: {  	v0 =	vadd.f32 v0, v1;
	_ =	sdelay $0x1  }
0x92: {  	v0 =	vadd.f32 v2, v0  }
0x93: {  	s20 =	simm.s32 $0x0  }
0x94: {  	[tilespmem:s20+$0xB580] =	vst v0  }
0x95: {  	v0 =	vld [tilespmem:s19+$0xFFFFFF50]  }
0x96: {  	v1 =	vld [tilespmem:s19+$0xFFFFFFD0];
	_ =	sdelay $0x1  }
0x97: {  	v2 =	vld [tilespmem:s19+$0x50];
	_ =	sdelay $0x2  }
0x98: {  	v0 =	vadd.f32 v1, v0;
	_ =	sdelay $0x1  }
0x99: {  	v0 =	vadd.f32 v2, v0;
	_ =	sdelay $0x1  }
0x9a: {  	[tilespmem:s20+$0xB590] =	vst v0  }
0x9b: {  	v0 =	vld [tilespmem:s19+$0xFFFFFF60]  }
0x9c: {  	v1 =	vld [tilespmem:s19+$0xFFFFFFE0];
	_ =	sdelay $0x1  }
0x9d: {  	v2 =	vld [tilespmem:s19+$0x60];
	_ =	sdelay $0x2  }
0x9e: {  	v0 =	vadd.f32 v1, v0;
	_ =	sdelay $0x1  }
0x9f: {  	v0 =	vadd.f32 v2, v0;
	_ =	sdelay $0x1  }
0xa0: {  	[tilespmem:s20+$0xB5A0] =	vst v0  }
0xa1: {  	v0 =	vld [tilespmem:s19+$0xFFFFFF70]  }
0xa2: {  	v1 =	vld [tilespmem:s19+$0xFFFFFFF0];
	_ =	sdelay $0x1  }
0xa3: {  	v2 =	vld [tilespmem:s19+$0x70];
	_ =	sdelay $0x2  }
0xa4: {  	v0 =	vadd.f32 v1, v0;
	_ =	sdelay $0x1  }
0xa5: {  	v0 =	vadd.f32 v2, v0;
	_ =	sdelay $0x1  }
0xa6: {  	[tilespmem:s20+$0xB5B0] =	vst v0  }
0xa7: {  	v0 =	vld [tilespmem:s19+$0xFFFFFF80]  }
0xa8: {  	v1 =	vld [tilespmem:s19+$0x0];
	_ =	sdelay $0x1  }
0xa9: {  	v2 =	vld [tilespmem:s19+$0x80];
	_ =	sdelay $0x2  }
0xaa: {  	v0 =	vadd.f32 v1, v0;
	_ =	sdelay $0x1  }
0xab: {  	v0 =	vadd.f32 v2, v0;
	_ =	sdelay $0x1  }
0xac: {  	[tilespmem:s20+$0xB5C0] =	vst v0  }
0xad: {  	v0 =	vld [tilespmem:s19+$0xFFFFFF90]  }
0xae: {  	v1 =	vld [tilespmem:s19+$0x10];
	_ =	sdelay $0x1  }
0xaf: {  	v2 =	vld [tilespmem:s19+$0x90];
	_ =	sdelay $0x2  }
0xb0: {  	v0 =	vadd.f32 v1, v0;
	_ =	sdelay $0x1  }
0xb1: {  	v0 =	vadd.f32 v2, v0;
	_ =	sdelay $0x1  }
0xb2: {  	[tilespmem:s20+$0xB5D0] =	vst v0  }
0xb3: {  	v0 =	vld [tilespmem:s19+$0xFFFFFFA0]  }
0xb4: {  	v1 =	vld [tilespmem:s19+$0x20];
	_ =	sdelay $0x1  }
0xb5: {  	v2 =	vld [tilespmem:s19+$0xA0];
	_ =	sdelay $0x2  }
0xb6: {  	v0 =	vadd.f32 v1, v0;
	_ =	sdelay $0x1  }
0xb7: {  	v0 =	vadd.f32 v2, v0;
	_ =	sdelay $0x1  }
0xb8: {  	[tilespmem:s20+$0xB5E0] =	vst v0  }
0xb9: {  	v0 =	vld [tilespmem:s19+$0xFFFFFFB0]  }
0xba: {  	s21 =	simm.s32 $0x200;
	v1 =	vld [tilespmem:s19+$0x30]  }
.LBB2_5:
0xbb: {  	p0 =	sne.s32 s21, $0x5E00  }
0xbc: {  	v2 =	vld [tilespmem:s19+$0xB0];
	s19 =	sadd.s32 $0x180, s19;
	s22 =	smov.u32 s21;
	s21 =	sadd.s32 $0x200, s21  }
0xbd: {  	_ =	sdelay $0x2  }
0xbe: {  	v0 =	vadd.f32 v1, v0;
	_ =	sdelay $0x1  }
0xbf: {  	v0 =	vadd.f32 v2, v0;
	_ =	sdelay $0x1  }
0xc0: {  	[tilespmem:s20+$0xB5F0] =	vst v0  }
0xc1: {  	v0 =	vld [tilespmem:s19+$0xFFFFFFC0]  }
0xc2: {  	v1 =	vld [tilespmem:s19+$0xFFFFFF40]  }
0xc3: {  	v2 =	vld [tilespmem:s19+$0x40];
	_ =	sdelay $0x3  }
0xc4: {  	v0 =	vadd.f32 v0, v1;
	_ =	sdelay $0x1  }
0xc5: {  	v0 =	vadd.f32 v2, v0  }
0xc6: {  	s20 =	sshra.s32 s22, $0x2  }
0xc7: {  	[tilespmem:s20+$0xB580] =	vst v0  }
0xc8: {  	v0 =	vld [tilespmem:s19+$0xFFFFFF50]  }
0xc9: {  	v1 =	vld [tilespmem:s19+$0xFFFFFFD0];
	_ =	sdelay $0x1  }
0xca: {  	v2 =	vld [tilespmem:s19+$0x50];
	_ =	sdelay $0x2  }
0xcb: {  	v0 =	vadd.f32 v1, v0;
	_ =	sdelay $0x1  }
0xcc: {  	v0 =	vadd.f32 v2, v0;
	_ =	sdelay $0x1  }
0xcd: {  	[tilespmem:s20+$0xB590] =	vst v0  }
0xce: {  	v0 =	vld [tilespmem:s19+$0xFFFFFF60]  }
0xcf: {  	v1 =	vld [tilespmem:s19+$0xFFFFFFE0];
	_ =	sdelay $0x1  }
0xd0: {  	v2 =	vld [tilespmem:s19+$0x60];
	_ =	sdelay $0x2  }
0xd1: {  	v0 =	vadd.f32 v1, v0;
	_ =	sdelay $0x1  }
0xd2: {  	v0 =	vadd.f32 v2, v0;
	_ =	sdelay $0x1  }
0xd3: {  	[tilespmem:s20+$0xB5A0] =	vst v0  }
0xd4: {  	v0 =	vld [tilespmem:s19+$0xFFFFFF70]  }
0xd5: {  	v1 =	vld [tilespmem:s19+$0xFFFFFFF0];
	_ =	sdelay $0x1  }
0xd6: {  	v2 =	vld [tilespmem:s19+$0x70];
	_ =	sdelay $0x2  }
0xd7: {  	v0 =	vadd.f32 v1, v0;
	_ =	sdelay $0x1  }
0xd8: {  	v0 =	vadd.f32 v2, v0;
	_ =	sdelay $0x1  }
0xd9: {  	[tilespmem:s20+$0xB5B0] =	vst v0  }
0xda: {  	v0 =	vld [tilespmem:s19+$0xFFFFFF80]  }
0xdb: {  	v1 =	vld [tilespmem:s19+$0x0]  }
0xdc: {  	v2 =	vld [tilespmem:s19+$0x80];
	_ =	sdelay $0x3  }
0xdd: {  	v0 =	vadd.f32 v1, v0;
	_ =	sdelay $0x1  }
0xde: {  	v0 =	vadd.f32 v2, v0;
	_ =	sdelay $0x1  }
0xdf: {  	[tilespmem:s20+$0xB5C0] =	vst v0  }
0xe0: {  	v0 =	vld [tilespmem:s19+$0xFFFFFF90]  }
0xe1: {  	v1 =	vld [tilespmem:s19+$0x10]  }
0xe2: {  	v2 =	vld [tilespmem:s19+$0x90];
	_ =	sdelay $0x3  }
0xe3: {  	v0 =	vadd.f32 v1, v0;
	_ =	sdelay $0x1  }
0xe4: {  	v0 =	vadd.f32 v2, v0;
	_ =	sdelay $0x1  }
0xe5: {  	[tilespmem:s20+$0xB5D0] =	vst v0  }
0xe6: {  	v0 =	vld [tilespmem:s19+$0xFFFFFFA0]  }
0xe7: {  	v1 =	vld [tilespmem:s19+$0x20]  }
0xe8: {  	v2 =	vld [tilespmem:s19+$0xA0];
	_ =	sdelay $0x3  }
0xe9: {  	v0 =	vadd.f32 v1, v0;
	_ =	sdelay $0x1  }
.Ltmp1:
0xea: {  	v0 =	vadd.f32 v2, v0;
	(pc) =	sbr.rel @p0 .LBB2_5-.Ltmp1, $4  }
0xeb: {  	_ = 	snop  }
0xec: {  	[tilespmem:s20+$0xB5E0] =	vst v0  }
0xed: {  	v0 =	vld [tilespmem:s19+$0xFFFFFFB0]  }
0xee: {  	v1 =	vld [tilespmem:s19+$0x30]  }
0xef: {  	_ = 	snop  }
0xf0: {  	v2 =	vld [tilespmem:s19+$0xB0];
	_ =	sdelay $0x1  }
0xf1: {  	s17 =	sadd.s32 $0x1, s17  }
0xf2: {  	p0 =	sne.s32 s17, $0x21;
	v0 =	vadd.f32 v1, v0  }
.Ltmp2:
0xf3: {  	s18 =	sadd.s32 s6, s18;
	(pc) =	sbr.rel @p0 .LBB2_2-.Ltmp2, $3  }
0xf4: {  	s18 =	smul.u32 $0x300, s18;
	v0 =	vadd.f32 v2, v0;
	_ =	sdelay $0x1  }
0xf5: {  	s18 =	sadd.s32 s4, s18;
	[tilespmem:s20+$0xB5F0] =	vst v0  }
0xf6: {  	[hbm4b:s18+s3] =	stream.linear.scatter [tilespmem:s13], [sflag:$0x3], $0x1800, $0x38;
	[tilespmem:$0xCD80] =	vst v63  }
0xf7: {  	s16 =	sadd.s32 $0x1, s16  }
0xf8: {  	p0 =	sne.s32 s16, s7  }
.Ltmp3:
0xf9: {  	_ = 	snop;
	(pc) =	sbr.rel @p0 .LBB2_1-.Ltmp3, $4  }
0xfa: {  	_ = 	snop  }
0xfb: {  	_ =	swait.ge [sflag:s15], $0x1800  }
0xfc: {  	[sflag:s15] =	ssyncset.done $0x0  }
0xfd: {  	[sflag:s15] =	ssyncadd.s32 $0xFFFFE800  }
0xfe: {  	_ =	sfence.sel $0x180000  }
0xff: {  	[bflag:$0x0] =	sbarrier.arrive $0xFFFF  }
0x100: {  	p0 =	sne.s32 s1, $0x0;
	_ =	strace $0x90000047  }
0x101: {  	s0 =	sadd.s32 @!p0 $0x100000, s0;
	[bflag:$0x2] =	sbarrier.arrive $0xFFFF  }
0x102: {  	[sflag:s0] =	ssyncadd.tile.s32 @!p0 $0x1;
	_ =	shalt  }
.Lfunc_end2:
_tile_overlayer_lowered:
.L_overlay_start_2:
0x103: {  	(tag) =	ssettag $0x2  }
0x104: {  	s0 =	rddreg [dreg:$0x0];
	s2 =	stileid.u32  }
0x105: {  	s1 =	rddreg [dreg:$0x1];
	p0 =	sne.s32 s2, $0x0  }
0x106: {  	s3 =	rddreg [dreg:$0x2];
	[bflag:$0x3] =	sbarrier.arrive $0xFFFF;
	s2 =	simm.s32 @!p0 $0x1C04  }
0x107: {  	[timem:s3], [sflag:s2] =	dma.local @!p0 [hbm:s0], s1  }
0x108: {  	s0 =	simm.s32 @!p0 $0x4  }
0x109: {  	_ =	swait.ge @!p0 [sflag:s0], s1  }
0x10a: {  	s1 =	ssub.s32 @!p0 $0x0, s1;
	[sflag:s0] =	ssyncset.done @!p0 $0x0  }
0x10b: {  	[sflag:s0] =	ssyncadd.s32 @!p0 s1  }
0x10c: {  	[bflag:$0x3] =	sbarrier.arrive $0xFFFF  }
0x10d: {  	_ =	shalt  }

// kernel: kernel.9.cloned.1.call-start
scs
__scs_entry_jumppad:
0x0: {  	(pc) =	sbr.rel $0x88, $3  }
0x1: {  	(tag) =	ssettag $0x0;
	lr =	simm.s32 $0x1  }
0x2: {  	[smem:$0x3F9B] =	sst lr;
	_ =	strace $0xD0000000  }
0x3: {  	_ = 	snop  }
0x4: {  	_ = 	snop  }
0x5: {  	_ = 	snop  }
0x6: {  	_ = 	snop  }
0x7: {  	_ = 	snop  }
__scs_overlays_trampoline_lowered:
0x8: {  	[smem:$0x3FAA] =	sst s0  }
0x9: {  	[smem:$0x3FAB] =	sst s1  }
0xa: {  	[smem:$0x3FAC] =	sst s2  }
0xb: {  	[smem:$0x3FAD] =	sst s3  }
0xc: {  	[smem:$0x3FAE] =	sst s4  }
0xd: {  	[smem:$0x3FAF] =	sst s5  }
0xe: {  	[smem:$0x3FB0] =	sst s6  }
0xf: {  	[smem:$0x3FB1] =	sst s7  }
0x10: {  	[smem:$0x3FB2] =	sst s8  }
0x11: {  	[smem:$0x3FB3] =	sst s9;
	s0 =	simm.s32 @!p0 $0x0  }
0x12: {  	s1 =	sld [smem:$0x3F99];
	s0 =	simm.s32 @p0 $0x1  }
0x13: {  	[smem:$0x3FB4] =	sst s0;
	s0 =	simm.s32 @!p1 $0x0  }
0x14: {  	s2 =	sld [smem:$0x3F98];
	s0 =	simm.s32 @p1 $0x1  }
0x15: {  	[smem:$0x3FB5] =	sst s0;
	s0 =	simm.s32 @!p2 $0x0  }
0x16: {  	s3 =	sld [smem:$0x3FDB];
	s0 =	simm.s32 @p2 $0x1  }
0x17: {  	s4 =	simm.s32 $0x1BF5;
	[smem:$0x3FB7] =	sst s0  }
0x18: {  	s0 =	sld [smem:$0x3F9A];
	_ =	swait.ge [sflag:s4], $0x0  }
0x19: {  	s7 =	sld [smem:$0x3F9B]  }
0x1a: {  	s8 =	sadd.s32 $0xFFFFE003, lr  }
0x1b: {  	s9 =	sadd.s32 $0xFFFFFEF7, lr;
	s5 =	simm.s32 $0xFFFFFFFF;
	p2 =	slt.u32 s8, $0xFFFFF086  }
0x1c: {  	p1 =	slt.u32 s9, $0xF7A;
	s5 =	simm.s32 @!p2 $0x0  }
0x1d: {  	s5 =	simm.s32 @p1 $0x1;
	p0 =	seq.s32 s7, s2  }
0x1e: {  	s7 =	smul.u32 @!p0 $0xF7A, s2;
	p2 =	seq.s32 @!p0 s5, $0x0  }
0x1f: {  	s9 =	smul.u32 $0xF7A, s1;
	s8 =	simm.s32 @!p0 $0x1BF5;
	p2 =	por !p2, p0  }
0x20: {  	[sflag:s8] =	ssyncset.s32 @!p0 $0xFFFFF086;
	s6 =	sadd.s32 @!p0 s3, s7;
	s7 =	simm.s32 @!p0 $0x108  }
0x21: {  	s3 =	sadd.s32 s3, s9;
	s6 =	sadd.s32 @!p0 $0x88, s6;
	s7 =	simm.s32 @p2 $0x1082  }
0x22: {  	[simem:s7], [sflag:s8] =	dma.local @!p0 [hbm:s6], $0xF7A  }
0x23: {  	s9 =	sor.u32 $0xD0000000, s2;
	s6 =	simm.s32 $0x108;
	_ =	swait.ge @!p0 [sflag:s8], $0x0  }
0x24: {  	s3 =	sadd.s32 $0x88, s3;
	s6 =	simm.s32 @!p1 $0x1082;
	[sflag:s4] =	ssyncset.s32 $0xFFFFF086  }
0x25: {  	[simem:s6], [sflag:s4] =	dma.local [hbm:s3], $0xF7A  }
0x26: {  	[smem:$0x3F9B] =	sst s1;
	(tag) =	ssettag s2;
	_ =	strace s9  }
0x27: {  	s1 =	sld [smem:$0x3FAB]  }
0x28: {  	s2 =	sld [smem:$0x3FAC]  }
0x29: {  	s4 =	sld [smem:$0x3FAE]  }
0x2a: {  	p0 =	seq.s32 s5, $0x0;
	s5 =	sld [smem:$0x3FAF]  }
0x2b: {  	s6 =	sld [smem:$0x3FB0]  }
0x2c: {  	s7 =	sld [smem:$0x3FB1]  }
0x2d: {  	s3 =	simm.s32 $0x108;
	s8 =	sld [smem:$0x3FB2]  }
0x2e: {  	s3 =	simm.s32 @!p0 $0x1082;
	s9 =	sld [smem:$0x3FB3]  }
0x2f: {  	lr =	sadd.s32 s0, s3;
	s0 =	sld [smem:$0x3FAA]  }
0x30: {  	s3 =	sld [smem:$0x3FAD]  }
0x31: {  	[smem:$0x3FB6] =	sst s10  }
0x32: {  	s10 =	sld [smem:$0x3FB4];
	_ =	sdelay $0x3  }
0x33: {  	p0 =	seq.s32 s10, $0x1;
	s10 =	sld [smem:$0x3FB6];
	_ =	sdelay $0x3  }
0x34: {  	[smem:$0x3FB6] =	sst s10  }
0x35: {  	s10 =	sld [smem:$0x3FB5];
	_ =	sdelay $0x3  }
0x36: {  	p1 =	seq.s32 s10, $0x1;
	s10 =	sld [smem:$0x3FB6];
	_ =	sdelay $0x3  }
0x37: {  	[smem:$0x3FB6] =	sst s10  }
0x38: {  	s10 =	sld [smem:$0x3FB7]  }
0x39: {  	_ = 	snop;
	(pc) =	sbr.ind lr, $3  }
0x3a: {  	_ = 	snop  }
0x3b: {  	_ = 	snop  }
0x3c: {  	p2 =	seq.s32 s10, $0x1;
	s10 =	sld [smem:$0x3FB6]  }
0x3d: {  	_ =	shalt  }
0x3e: {  	_ =	shalt  }
0x3f: {  	_ =	shalt  }
0x40: {  	_ =	shalt  }
0x41: {  	_ =	shalt  }
0x42: {  	_ =	shalt  }
0x43: {  	_ =	shalt  }
0x44: {  	_ =	shalt  }
0x45: {  	_ =	shalt  }
0x46: {  	_ =	shalt  }
0x47: {  	_ =	shalt  }
0x48: {  	_ =	shalt  }
0x49: {  	_ =	shalt  }
0x4a: {  	_ =	shalt  }
0x4b: {  	_ =	shalt  }
0x4c: {  	_ =	shalt  }
0x4d: {  	_ =	shalt  }
0x4e: {  	_ =	shalt  }
0x4f: {  	_ =	shalt  }
0x50: {  	_ =	shalt  }
0x51: {  	_ =	shalt  }
0x52: {  	_ =	shalt  }
0x53: {  	_ =	shalt  }
0x54: {  	_ =	shalt  }
0x55: {  	_ =	shalt  }
0x56: {  	_ =	shalt  }
0x57: {  	_ =	shalt  }
0x58: {  	_ =	shalt  }
0x59: {  	_ =	shalt  }
0x5a: {  	_ =	shalt  }
0x5b: {  	_ =	shalt  }
0x5c: {  	_ =	shalt  }
0x5d: {  	_ =	shalt  }
0x5e: {  	_ =	shalt  }
0x5f: {  	_ =	shalt  }
0x60: {  	_ =	shalt  }
0x61: {  	_ =	shalt  }
0x62: {  	_ =	shalt  }
0x63: {  	_ =	shalt  }
0x64: {  	_ =	shalt  }
0x65: {  	_ =	shalt  }
0x66: {  	_ =	shalt  }
0x67: {  	_ =	shalt  }
0x68: {  	_ =	shalt  }
0x69: {  	_ =	shalt  }
0x6a: {  	_ =	shalt  }
0x6b: {  	_ =	shalt  }
0x6c: {  	_ =	shalt  }
0x6d: {  	_ =	shalt  }
0x6e: {  	_ =	shalt  }
0x6f: {  	_ =	shalt  }
0x70: {  	_ =	shalt  }
0x71: {  	_ =	shalt  }
0x72: {  	_ =	shalt  }
0x73: {  	_ =	shalt  }
0x74: {  	_ =	shalt  }
0x75: {  	_ =	shalt  }
0x76: {  	_ =	shalt  }
0x77: {  	_ =	shalt  }
0x78: {  	_ =	shalt  }
0x79: {  	_ =	shalt  }
0x7a: {  	_ =	shalt  }
0x7b: {  	_ =	shalt  }
0x7c: {  	_ =	shalt  }
0x7d: {  	_ =	shalt  }
0x7e: {  	_ =	shalt  }
0x7f: {  	_ =	shalt  }
0x80: {  	_ =	shalt  }
0x81: {  	_ =	shalt  }
0x82: {  	_ =	shalt  }
0x83: {  	_ =	shalt  }
0x84: {  	_ =	shalt  }
0x85: {  	_ =	shalt  }
0x86: {  	_ =	shalt  }
0x87: {  	_ =	shalt  }
.Lfunc_end0:
.L_simem_size_0:
called_computation.1_lowered:
.L_overlay_start_0:
0x88: {  	s2 =	sld [smem:$0x3FD9]  }
0x89: {  	s3 =	sld [smem:$0x3FFE];
	_ =	sdelay $0x1  }
0x8a: {  	s1 =	srdreg.scid  }
0x8b: {  	s0 =	sand.u32 $0x1, s1  }
0x8c: {  	s17 =	sshll.u32 s0, $0xA;
	s2 =	sadd.s32 s3, s2  }
0x8d: {  	s2 =	sadd.s32 s2, s17  }
0x8e: {  	[smem:$0x3FC2] =	sst s2  }
0x8f: {  	_ = 	snop  }
0x90: {  	s18 =	sld [smem:$0x3FC9];
	(tm) =	ssettm $0x1  }
0x91: {  	s19 =	sld [smem:$0x3FFB];
	_ =	sdelay $0x3  }
0x92: {  	_ =	strace s19  }
0x93: {  	s2 =	sld [smem:$0x3FFC];
	_ =	sdelay $0x3  }
0x94: {  	_ =	strace s2  }
0x95: {  	s2 =	sld [smem:$0x3FFD];
	_ =	sdelay $0x3  }
0x96: {  	_ =	strace s2  }
0x97: {  	_ =	strace $0x8FFFFFFF  }
0x98: {  	s20 =	sld [smem:$0x3FDB];
	_ =	sdelay $0x1  }
0x99: {  	s4 =	simm.s32 $_scs_section_size  }
0x9a: {  	s5 =	simm.s32 $_size__tile_overlayer_lowered;
	s6 =	simm.s32 $_tile_overlayer_lowered  }
0x9b: {  	s7 =	simm.s32 $0x1BFF;
	s21 =	sshll.u32 s6, $0x1;
	s4 =	sadd.s32 s4, s20  }
0x9c: {  	s22 =	simm.s32 $0x0;
	s5 =	sshll.u32 s5, $0x1;
	s6 =	sadd.s32 s21, s4  }
0x9d: {  	[timem:s22], [sflag:s7] =	dma.local [hbm:s6], s5  }
0x9e: {  	_ =	swait.ge [sflag:s7], s5  }
0x9f: {  	s5 =	ssub.s32 $0x0, s5;
	[sflag:s7] =	ssyncset.done $0x0  }
0xa0: {  	[sflag:s7] =	ssyncadd.s32 s5;
	_ =	sdelay $0x1  }
0xa1: {  	s23 =	simm.s32 $0x1B8B  }
0xa2: {  	_ =	swait.ge [sflag:s23], $0x1  }
0xa3: {  	[sflag:s23] =	ssyncset.done $0x0  }
0xa4: {  	[sflag:s23] =	ssyncadd.s32 $0xFFFFFFFF  }
0xa5: {  	s5 =	sld [smem:$0x0]  }
0xa6: {  	s6 =	sand.u32 $0xFFFFFFFE, s1  }
0xa7: {  	p0 =	sne.s32 s1, s6  }
0xa8: {  	s6 =	sshll.u32 @p0 s6, $0xE  }
0xa9: {  	s6 =	sadd.s32 @p0 $0x11B8D, s6;
	s7 =	sshll.u32 @p0 s5, $0x11  }
0xaa: {  	s6 =	sor.u32 @p0 s7, s6  }
0xab: {  	[sflag:s6] =	ssyncadd.remote.s32 @p0 $0x1;
	_ =	sdelay $0x1  }
0xac: {  	s6 =	simm.s32 @p0 $0x1B8D  }
0xad: {  	_ =	swait.eq @p0 [sflag:s6], $0x1  }
0xae: {  	[sflag:s6] =	ssyncadd.s32 @p0 $0xFFFFFFFF  }
0xaf: {  	s7 =	sshll.u32 @!p0 s1, $0xE  }
0xb0: {  	s7 =	sor.u32 @!p0 $0x4000, s7;
	s6 =	simm.s32 @!p0 $0x1B8D  }
0xb1: {  	s5 =	sshll.u32 @!p0 s5, $0x11;
	s7 =	sadd.s32 @!p0 $0x11B8D, s7;
	_ =	swait.eq @!p0 [sflag:s6], $0x1  }
0xb2: {  	s5 =	sor.u32 @!p0 s5, s7;
	[sflag:s6] =	ssyncadd.s32 @!p0 $0xFFFFFFFF  }
0xb3: {  	s25 =	simm.s32 $0x1B8E;
	s24 =	sld [smem:$0x3FFE];
	[sflag:s5] =	ssyncadd.remote.s32 @!p0 $0x1  }
0xb4: {  	s26 =	simm.s32 $execute0_lowered;
	[smem:$0x3FD2] =	sst s25  }
0xb5: {  	s6 =	sshll.u32 s26, $0x1;
	_ =	strace $0x80000049;
	[dreg:$0x1] =	wrdreg $0xFFFFFFFF  }
0xb6: {  	s28 =	simm.s32 $_size_execute0_lowered;
	s4 =	sadd.s32 s4, s6;
	[dreg:$0x0] =	wrdreg $0x0  }
0xb7: {  	s6 =	sshll.u32 s28, $0x1;
	[dreg:$0x2] =	wrdreg s4  }
0xb8: {  	[dreg:$0x3] =	wrdreg s6  }
0xb9: {  	[dreg:$0x4] =	wrdreg $0xC0  }
0xba: {  	_ =	task [dreg:s22], $0x5FFFF  }
0xbb: {  	[dreg:$0x1] =	wrdreg $0xFFFFFFFF  }
0xbc: {  	[dreg:$0x0] =	wrdreg $0x60  }
0xbd: {  	[dreg:$0x2] =	wrdreg s18  }
0xbe: {  	[dreg:$0x3] =	wrdreg s24  }
0xbf: {  	[dreg:$0x4] =	wrdreg $0xA  }
0xc0: {  	_ =	task.clear_ibuf [dreg:s22], $0x5FFFF;
	_ =	strace $0x90000049  }
0xc1: {  	s29 =	simm.s32 $0xA;
	_ =	strace $0x8000004B  }
0xc2: {  	_ =	swait.ge [sflag:s29], $0x1  }
0xc3: {  	[sflag:s29] =	ssyncadd.s32 $0xFFFFFFFF  }
0xc4: {  	_ =	strace $0x9000004B  }
0xc5: {  	_ =	sfence  }
0xc6: {  	s30 =	sld [smem:$0x0];
	_ =	sdelay $0x2  }
0xc7: {  	s31 =	sshll.u32 s1, $0xD;
	s1 =	sshrl.u32 s1, $0x2  }
0xc8: {  	s4 =	sand.u32 $0x4000, s31;
	s1 =	sadd.s32 s1, s30  }
0xc9: {  	s0 =	sor.u32 s4, s0;
	s1 =	sshll.u32 s1, $0x11  }
0xca: {  	s0 =	sor.u32 s1, s0  }
0xcb: {  	s0 =	sadd.s32 $0x8F2B, s0  }
0xcc: {  	[sflag:s0] =	ssyncadd.remote.s32 $0x1  }
0xcd: {  	_ =	sfence.sel $0xFFFF  }
0xce: {  	[dreg:$0x0] =	wrdreg $0xFFFFFFFF;
	(pc) =	sbr.abs _section_cstart, $3  }
0xcf: {  	[dreg:$0x1] =	wrdreg $0xFFFFFFFF  }
0xd0: {  	_ =	task.clear_ibuf [dreg:s22], $0x2FFFF;
	_ =	strace $0x9FFFFFFF  }
0xd1: {  	(tm) =	ssettm $0x7FFFFFFF  }
tec
execute0_lowered:
.L_overlay_start_1:
0x0: {  	(tag) =	ssettag $0x1  }
0x1: {  	s2 =	rddreg [dreg:$0x0];
	s1 =	srdreg.scid  }
0x2: {  	s0 =	stileid.u32;
	s4 =	rddreg [dreg:$0x1];
	s3 =	simm.s32 $0x0  }
0x3: {  	s9 =	simm.s32 $0x90;
	s10 =	simm.s32 $0x2580;
	s11 =	simm.s32 $0x6D80  }
0x4: {  	s12 =	simm.s32 $0x1;
	s13 =	simm.s32 $0xB580;
	s14 =	simm.s32 $0x2  }
0x5: {  	s15 =	simm.s32 $0x3;
	s5 =	sand.u32 $0x1, s1;
	s6 =	sshll.u32 s0, $0x1  }
0x6: {  	s16 =	simm.s32 $0x0;
	s1 =	rddreg [dreg:$0x2];
	s6 =	sor.u32 s5, s6  }
0x7: {  	[smem:$0x7FF] =	sst s3;
	s5 =	ssub.s32 $0x2, s5;
	s7 =	smul.u32 $0x4A4, s6  }
0x8: {  	_ =	strace $0x8000004A;
	s8 =	sshrl.u32 s5, $0x1;
	s6 =	smul.u32 $0x42, s6  }
0x9: {  	s8 =	ssub.s32 s5, s8;
	s7 =	sadd.s32 s7, s4;
	s4 =	sadd.s32 $0x196800, s4  }
0xa: {  	s5 =	sadd.s32 $0x1200, s7;
	s7 =	smax.u32 s8, $0x1;
	s8 =	simm.s32 $0x4  }
.LBB2_1:
0xb: {  	[tilespmem:s3], [sflag:$0x4] =	stream.linear.gather [hbm4b:s5+s3], $0x2520, $0x38;
	[tilespmem:$0xCD80] =	vst v63  }
0xc: {  	_ =	swait.ge [sflag:s8], $0x2520  }
0xd: {  	[sflag:s8] =	ssyncset.done $0x0  }
0xe: {  	s17 =	simm.s32 $0x0;
	[sflag:s8] =	ssyncadd.s32 $0xFFFFDAE0  }
0xf: {  	[tilespmem:s10], [sflag:$0x1] =	stream.indirect.gather [hbm4b:s2+s9], $0x80, s3, s9, $0xb8;
	[tilespmem:$0xCD80] =	vst v63  }
.LBB2_2:
0x10: {  	s18 =	sshllo.u32 s17, $0x1  }
0x11: {  	s19 =	smul.u32 $0x240, s18;
	_ =	sdelay $0x1  }
0x12: {  	s19 =	sshra.s32 s19, $0x2  }
0x13: {  	[tilespmem:s11], [sflag:$0x2] =	stream.indirect.gather [hbm4b:s2+s9], $0x80, s19, s9, $0xb8;
	[tilespmem:$0xCD80] =	vst v63  }
0x14: {  	_ =	swait.ge [sflag:s12], $0x4800  }
0x15: {  	p0 =	seq.s32 s17, $0x0;
	[sflag:s12] =	ssyncset.done $0x0  }
0x16: {  	s19 =	simm.s32 @!p0 $0x3;
	[sflag:s12] =	ssyncadd.s32 $0xFFFFB800  }
0x17: {  	_ =	swait.ge @!p0 [sflag:s19], $0x1800  }
0x18: {  	[sflag:s19] =	ssyncset.done @!p0 $0x0  }
0x19: {  	[sflag:s19] =	ssyncadd.s32 @!p0 $0xFFFFE800;
	s19 =	simm.s32 $0x2640  }
0x1a: {  	v0 =	vld [tilespmem:s19+$0xFFFFFFC0]  }
0x1b: {  	v1 =	vld [tilespmem:s19+$0xFFFFFF40];
	_ =	sdelay $0x1  }
0x1c: {  	v2 =	vld [tilespmem:s19+$0x40];
	_ =	sdelay $0x2  }
0x1d: {  	v0 =	vadd.f32 v0, v1;
	_ =	sdelay $0x1  }
0x1e: {  	v0 =	vadd.f32 v2, v0  }
0x1f: {  	s20 =	simm.s32 $0x0  }
0x20: {  	[tilespmem:s20+$0xB580] =	vst v0  }
0x21: {  	v0 =	vld [tilespmem:s19+$0xFFFFFF50]  }
0x22: {  	v1 =	vld [tilespmem:s19+$0xFFFFFFD0];
	_ =	sdelay $0x1  }
0x23: {  	v2 =	vld [tilespmem:s19+$0x50];
	_ =	sdelay $0x2  }
0x24: {  	v0 =	vadd.f32 v1, v0;
	_ =	sdelay $0x1  }
0x25: {  	v0 =	vadd.f32 v2, v0;
	_ =	sdelay $0x1  }
0x26: {  	[tilespmem:s20+$0xB590] =	vst v0  }
0x27: {  	v0 =	vld [tilespmem:s19+$0xFFFFFF60]  }
0x28: {  	v1 =	vld [tilespmem:s19+$0xFFFFFFE0];
	_ =	sdelay $0x1  }
0x29: {  	v2 =	vld [tilespmem:s19+$0x60];
	_ =	sdelay $0x2  }
0x2a: {  	v0 =	vadd.f32 v1, v0;
	_ =	sdelay $0x1  }
0x2b: {  	v0 =	vadd.f32 v2, v0;
	_ =	sdelay $0x1  }
0x2c: {  	[tilespmem:s20+$0xB5A0] =	vst v0  }
0x2d: {  	v0 =	vld [tilespmem:s19+$0xFFFFFF70]  }
0x2e: {  	v1 =	vld [tilespmem:s19+$0xFFFFFFF0];
	_ =	sdelay $0x1  }
0x2f: {  	v2 =	vld [tilespmem:s19+$0x70];
	_ =	sdelay $0x2  }
0x30: {  	v0 =	vadd.f32 v1, v0;
	_ =	sdelay $0x1  }
0x31: {  	v0 =	vadd.f32 v2, v0;
	_ =	sdelay $0x1  }
0x32: {  	[tilespmem:s20+$0xB5B0] =	vst v0  }
0x33: {  	v0 =	vld [tilespmem:s19+$0xFFFFFF80]  }
0x34: {  	v1 =	vld [tilespmem:s19+$0x0];
	_ =	sdelay $0x1  }
0x35: {  	v2 =	vld [tilespmem:s19+$0x80];
	_ =	sdelay $0x2  }
0x36: {  	v0 =	vadd.f32 v1, v0;
	_ =	sdelay $0x1  }
0x37: {  	v0 =	vadd.f32 v2, v0;
	_ =	sdelay $0x1  }
0x38: {  	[tilespmem:s20+$0xB5C0] =	vst v0  }
0x39: {  	v0 =	vld [tilespmem:s19+$0xFFFFFF90]  }
0x3a: {  	v1 =	vld [tilespmem:s19+$0x10];
	_ =	sdelay $0x1  }
0x3b: {  	v2 =	vld [tilespmem:s19+$0x90];
	_ =	sdelay $0x2  }
0x3c: {  	v0 =	vadd.f32 v1, v0;
	_ =	sdelay $0x1  }
0x3d: {  	v0 =	vadd.f32 v2, v0;
	_ =	sdelay $0x1  }
0x3e: {  	[tilespmem:s20+$0xB5D0] =	vst v0  }
0x3f: {  	v0 =	vld [tilespmem:s19+$0xFFFFFFA0]  }
0x40: {  	v1 =	vld [tilespmem:s19+$0x20];
	_ =	sdelay $0x1  }
0x41: {  	v2 =	vld [tilespmem:s19+$0xA0];
	_ =	sdelay $0x2  }
0x42: {  	v0 =	vadd.f32 v1, v0;
	_ =	sdelay $0x1  }
0x43: {  	v0 =	vadd.f32 v2, v0;
	_ =	sdelay $0x1  }
0x44: {  	[tilespmem:s20+$0xB5E0] =	vst v0  }
0x45: {  	v0 =	vld [tilespmem:s19+$0xFFFFFFB0]  }
0x46: {  	s21 =	sshll.u32 s17, $0x1;
	s22 =	simm.s32 $0x200;
	v1 =	vld [tilespmem:s19+$0x30]  }
.LBB2_3:
0x47: {  	p0 =	sne.s32 s22, $0x5E00  }
0x48: {  	v2 =	vld [tilespmem:s19+$0xB0];
	s19 =	sadd.s32 $0x180, s19;
	s23 =	smov.u32 s22;
	s22 =	sadd.s32 $0x200, s22  }
0x49: {  	_ =	sdelay $0x2  }
0x4a: {  	v0 =	vadd.f32 v1, v0;
	_ =	sdelay $0x1  }
0x4b: {  	v0 =	vadd.f32 v2, v0;
	_ =	sdelay $0x1  }
0x4c: {  	[tilespmem:s20+$0xB5F0] =	vst v0  }
0x4d: {  	v0 =	vld [tilespmem:s19+$0xFFFFFFC0]  }
0x4e: {  	v1 =	vld [tilespmem:s19+$0xFFFFFF40]  }
0x4f: {  	v2 =	vld [tilespmem:s19+$0x40];
	_ =	sdelay $0x3  }
0x50: {  	v0 =	vadd.f32 v0, v1;
	_ =	sdelay $0x1  }
0x51: {  	v0 =	vadd.f32 v2, v0  }
0x52: {  	s20 =	sshra.s32 s23, $0x2  }
0x53: {  	[tilespmem:s20+$0xB580] =	vst v0  }
0x54: {  	v0 =	vld [tilespmem:s19+$0xFFFFFF50]  }
0x55: {  	v1 =	vld [tilespmem:s19+$0xFFFFFFD0];
	_ =	sdelay $0x1  }
0x56: {  	v2 =	vld [tilespmem:s19+$0x50];
	_ =	sdelay $0x2  }
0x57: {  	v0 =	vadd.f32 v1, v0;
	_ =	sdelay $0x1  }
0x58: {  	v0 =	vadd.f32 v2, v0;
	_ =	sdelay $0x1  }
0x59: {  	[tilespmem:s20+$0xB590] =	vst v0  }
0x5a: {  	v0 =	vld [tilespmem:s19+$0xFFFFFF60]  }
0x5b: {  	v1 =	vld [tilespmem:s19+$0xFFFFFFE0];
	_ =	sdelay $0x1  }
0x5c: {  	v2 =	vld [tilespmem:s19+$0x60];
	_ =	sdelay $0x2  }
0x5d: {  	v0 =	vadd.f32 v1, v0;
	_ =	sdelay $0x1  }
0x5e: {  	v0 =	vadd.f32 v2, v0;
	_ =	sdelay $0x1  }
0x5f: {  	[tilespmem:s20+$0xB5A0] =	vst v0  }
0x60: {  	v0 =	vld [tilespmem:s19+$0xFFFFFF70]  }
0x61: {  	v1 =	vld [tilespmem:s19+$0xFFFFFFF0];
	_ =	sdelay $0x1  }
0x62: {  	v2 =	vld [tilespmem:s19+$0x70];
	_ =	sdelay $0x2  }
0x63: {  	v0 =	vadd.f32 v1, v0;
	_ =	sdelay $0x1  }
0x64: {  	v0 =	vadd.f32 v2, v0;
	_ =	sdelay $0x1  }
0x65: {  	[tilespmem:s20+$0xB5B0] =	vst v0  }
0x66: {  	v0 =	vld [tilespmem:s19+$0xFFFFFF80]  }
0x67: {  	v1 =	vld [tilespmem:s19+$0x0]  }
0x68: {  	v2 =	vld [tilespmem:s19+$0x80];
	_ =	sdelay $0x3  }
0x69: {  	v0 =	vadd.f32 v1, v0;
	_ =	sdelay $0x1  }
0x6a: {  	v0 =	vadd.f32 v2, v0;
	_ =	sdelay $0x1  }
0x6b: {  	[tilespmem:s20+$0xB5C0] =	vst v0  }
0x6c: {  	v0 =	vld [tilespmem:s19+$0xFFFFFF90]  }
0x6d: {  	v1 =	vld [tilespmem:s19+$0x10]  }
0x6e: {  	v2 =	vld [tilespmem:s19+$0x90];
	_ =	sdelay $0x3  }
0x6f: {  	v0 =	vadd.f32 v1, v0;
	_ =	sdelay $0x1  }
0x70: {  	v0 =	vadd.f32 v2, v0;
	_ =	sdelay $0x1  }
0x71: {  	[tilespmem:s20+$0xB5D0] =	vst v0  }
0x72: {  	v0 =	vld [tilespmem:s19+$0xFFFFFFA0]  }
0x73: {  	v1 =	vld [tilespmem:s19+$0x20]  }
0x74: {  	v2 =	vld [tilespmem:s19+$0xA0];
	_ =	sdelay $0x3  }
0x75: {  	v0 =	vadd.f32 v1, v0;
	_ =	sdelay $0x1  }
.Ltmp0:
0x76: {  	v0 =	vadd.f32 v2, v0;
	(pc) =	sbr.rel @p0 .LBB2_3-.Ltmp0, $4  }
0x77: {  	_ = 	snop  }
0x78: {  	[tilespmem:s20+$0xB5E0] =	vst v0  }
0x79: {  	v0 =	vld [tilespmem:s19+$0xFFFFFFB0]  }
0x7a: {  	v1 =	vld [tilespmem:s19+$0x30]  }
0x7b: {  	_ = 	snop  }
0x7c: {  	v2 =	vld [tilespmem:s19+$0xB0];
	_ =	sdelay $0x2  }
0x7d: {  	v0 =	vadd.f32 v1, v0  }
0x7e: {  	s31 =	sadd.s32 s6, s21  }
0x7f: {  	s19 =	smul.u32 $0x300, s31;
	v0 =	vadd.f32 v2, v0  }
0x80: {  	p0 =	seq.s32 s17, $0x20  }
0x81: {  	s19 =	sadd.s32 s4, s19;
	[tilespmem:s20+$0xB5F0] =	vst v0;
	s20 =	smul.u32 @!p0 $0x480, s17  }
0x82: {  	[hbm4b:s19+s3] =	stream.linear.scatter [tilespmem:s13], [sflag:$0x3], $0x1800, $0x38;
	[tilespmem:$0xCD80] =	vst v63  }
0x83: {  	s19 =	sshra.s32 @!p0 s20, $0x2  }
0x84: {  	s21 =	simm.s32 @!p0 $0x2580;
	s20 =	simm.s32 @!p0 $0x90;
	s19 =	sadd.s32 @!p0 $0x120, s19  }
0x85: {  	[tilespmem:s21], [sflag:$0x1] =	stream.indirect.gather @!p0 [hbm4b:s2+s20], $0x80, s19, s20, $0xb8;
	[tilespmem:$0xCD80] =	vst v63  }
0x86: {  	_ =	swait.ge [sflag:s14], $0x4800  }
0x87: {  	[sflag:s14] =	ssyncset.done $0x0  }
0x88: {  	[sflag:s14] =	ssyncadd.s32 $0xFFFFB800  }
0x89: {  	_ =	swait.ge [sflag:s15], $0x1800  }
0x8a: {  	[sflag:s15] =	ssyncset.done $0x0  }
0x8b: {  	s19 =	simm.s32 $0x6E40;
	[sflag:s15] =	ssyncadd.s32 $0xFFFFE800  }
0x8c: {  	v0 =	vld [tilespmem:s19+$0xFFFFFFC0]  }
0x8d: {  	v1 =	vld [tilespmem:s19+$0xFFFFFF40];
	_ =	sdelay $0x1  }
0x8e: {  	v2 =	vld [tilespmem:s19+$0x40];
	_ =	sdelay $0x2  }
0x8f: {  	v0 =	vadd.f32 v0, v1;
	_ =	sdelay $0x1  }
0x90: {  	v0 =	vadd.f32 v2, v0  }
0x91: {  	s20 =	simm.s32 $0x0  }
0x92: {  	[tilespmem:s20+$0xB580] =	vst v0  }
0x93: {  	v0 =	vld [tilespmem:s19+$0xFFFFFF50]  }
0x94: {  	v1 =	vld [tilespmem:s19+$0xFFFFFFD0];
	_ =	sdelay $0x1  }
0x95: {  	v2 =	vld [tilespmem:s19+$0x50];
	_ =	sdelay $0x2  }
0x96: {  	v0 =	vadd.f32 v1, v0;
	_ =	sdelay $0x1  }
0x97: {  	v0 =	vadd.f32 v2, v0;
	_ =	sdelay $0x1  }
0x98: {  	[tilespmem:s20+$0xB590] =	vst v0  }
0x99: {  	v0 =	vld [tilespmem:s19+$0xFFFFFF60]  }
0x9a: {  	v1 =	vld [tilespmem:s19+$0xFFFFFFE0];
	_ =	sdelay $0x1  }
0x9b: {  	v2 =	vld [tilespmem:s19+$0x60];
	_ =	sdelay $0x2  }
0x9c: {  	v0 =	vadd.f32 v1, v0;
	_ =	sdelay $0x1  }
0x9d: {  	v0 =	vadd.f32 v2, v0;
	_ =	sdelay $0x1  }
0x9e: {  	[tilespmem:s20+$0xB5A0] =	vst v0  }
0x9f: {  	v0 =	vld [tilespmem:s19+$0xFFFFFF70]  }
0xa0: {  	v1 =	vld [tilespmem:s19+$0xFFFFFFF0];
	_ =	sdelay $0x1  }
0xa1: {  	v2 =	vld [tilespmem:s19+$0x70];
	_ =	sdelay $0x2  }
0xa2: {  	v0 =	vadd.f32 v1, v0;
	_ =	sdelay $0x1  }
0xa3: {  	v0 =	vadd.f32 v2, v0;
	_ =	sdelay $0x1  }
0xa4: {  	[tilespmem:s20+$0xB5B0] =	vst v0  }
0xa5: {  	v0 =	vld [tilespmem:s19+$0xFFFFFF80]  }
0xa6: {  	v1 =	vld [tilespmem:s19+$0x0];
	_ =	sdelay $0x1  }
0xa7: {  	v2 =	vld [tilespmem:s19+$0x80];
	_ =	sdelay $0x2  }
0xa8: {  	v0 =	vadd.f32 v1, v0;
	_ =	sdelay $0x1  }
0xa9: {  	v0 =	vadd.f32 v2, v0;
	_ =	sdelay $0x1  }
0xaa: {  	[tilespmem:s20+$0xB5C0] =	vst v0  }
0xab: {  	v0 =	vld [tilespmem:s19+$0xFFFFFF90]  }
0xac: {  	v1 =	vld [tilespmem:s19+$0x10];
	_ =	sdelay $0x1  }
0xad: {  	v2 =	vld [tilespmem:s19+$0x90];
	_ =	sdelay $0x2  }
0xae: {  	v0 =	vadd.f32 v1, v0;
	_ =	sdelay $0x1  }
0xaf: {  	v0 =	vadd.f32 v2, v0;
	_ =	sdelay $0x1  }
0xb0: {  	[tilespmem:s20+$0xB5D0] =	vst v0  }
0xb1: {  	v0 =	vld [tilespmem:s19+$0xFFFFFFA0]  }
0xb2: {  	v1 =	vld [tilespmem:s19+$0x20];
	_ =	sdelay $0x1  }
0xb3: {  	v2 =	vld [tilespmem:s19+$0xA0];
	_ =	sdelay $0x2  }
0xb4: {  	v0 =	vadd.f32 v1, v0;
	_ =	sdelay $0x1  }
0xb5: {  	v0 =	vadd.f32 v2, v0;
	_ =	sdelay $0x1  }
0xb6: {  	[tilespmem:s20+$0xB5E0] =	vst v0  }
0xb7: {  	v0 =	vld [tilespmem:s19+$0xFFFFFFB0]  }
0xb8: {  	s21 =	simm.s32 $0x200;
	v1 =	vld [tilespmem:s19+$0x30]  }
.LBB2_5:
0xb9: {  	p0 =	sne.s32 s21, $0x5E00  }
0xba: {  	v2 =	vld [tilespmem:s19+$0xB0];
	s19 =	sadd.s32 $0x180, s19;
	s22 =	smov.u32 s21;
	s21 =	sadd.s32 $0x200, s21  }
0xbb: {  	_ =	sdelay $0x2  }
0xbc: {  	v0 =	vadd.f32 v1, v0;
	_ =	sdelay $0x1  }
0xbd: {  	v0 =	vadd.f32 v2, v0;
	_ =	sdelay $0x1  }
0xbe: {  	[tilespmem:s20+$0xB5F0] =	vst v0  }
0xbf: {  	v0 =	vld [tilespmem:s19+$0xFFFFFFC0]  }
0xc0: {  	v1 =	vld [tilespmem:s19+$0xFFFFFF40]  }
0xc1: {  	v2 =	vld [tilespmem:s19+$0x40];
	_ =	sdelay $0x3  }
0xc2: {  	v0 =	vadd.f32 v0, v1;
	_ =	sdelay $0x1  }
0xc3: {  	v0 =	vadd.f32 v2, v0  }
0xc4: {  	s20 =	sshra.s32 s22, $0x2  }
0xc5: {  	[tilespmem:s20+$0xB580] =	vst v0  }
0xc6: {  	v0 =	vld [tilespmem:s19+$0xFFFFFF50]  }
0xc7: {  	v1 =	vld [tilespmem:s19+$0xFFFFFFD0];
	_ =	sdelay $0x1  }
0xc8: {  	v2 =	vld [tilespmem:s19+$0x50];
	_ =	sdelay $0x2  }
0xc9: {  	v0 =	vadd.f32 v1, v0;
	_ =	sdelay $0x1  }
0xca: {  	v0 =	vadd.f32 v2, v0;
	_ =	sdelay $0x1  }
0xcb: {  	[tilespmem:s20+$0xB590] =	vst v0  }
0xcc: {  	v0 =	vld [tilespmem:s19+$0xFFFFFF60]  }
0xcd: {  	v1 =	vld [tilespmem:s19+$0xFFFFFFE0];
	_ =	sdelay $0x1  }
0xce: {  	v2 =	vld [tilespmem:s19+$0x60];
	_ =	sdelay $0x2  }
0xcf: {  	v0 =	vadd.f32 v1, v0;
	_ =	sdelay $0x1  }
0xd0: {  	v0 =	vadd.f32 v2, v0;
	_ =	sdelay $0x1  }
0xd1: {  	[tilespmem:s20+$0xB5A0] =	vst v0  }
0xd2: {  	v0 =	vld [tilespmem:s19+$0xFFFFFF70]  }
0xd3: {  	v1 =	vld [tilespmem:s19+$0xFFFFFFF0];
	_ =	sdelay $0x1  }
0xd4: {  	v2 =	vld [tilespmem:s19+$0x70];
	_ =	sdelay $0x2  }
0xd5: {  	v0 =	vadd.f32 v1, v0;
	_ =	sdelay $0x1  }
0xd6: {  	v0 =	vadd.f32 v2, v0;
	_ =	sdelay $0x1  }
0xd7: {  	[tilespmem:s20+$0xB5B0] =	vst v0  }
0xd8: {  	v0 =	vld [tilespmem:s19+$0xFFFFFF80]  }
0xd9: {  	v1 =	vld [tilespmem:s19+$0x0]  }
0xda: {  	v2 =	vld [tilespmem:s19+$0x80];
	_ =	sdelay $0x3  }
0xdb: {  	v0 =	vadd.f32 v1, v0;
	_ =	sdelay $0x1  }
0xdc: {  	v0 =	vadd.f32 v2, v0;
	_ =	sdelay $0x1  }
0xdd: {  	[tilespmem:s20+$0xB5C0] =	vst v0  }
0xde: {  	v0 =	vld [tilespmem:s19+$0xFFFFFF90]  }
0xdf: {  	v1 =	vld [tilespmem:s19+$0x10]  }
0xe0: {  	v2 =	vld [tilespmem:s19+$0x90];
	_ =	sdelay $0x3  }
0xe1: {  	v0 =	vadd.f32 v1, v0;
	_ =	sdelay $0x1  }
0xe2: {  	v0 =	vadd.f32 v2, v0;
	_ =	sdelay $0x1  }
0xe3: {  	[tilespmem:s20+$0xB5D0] =	vst v0  }
0xe4: {  	v0 =	vld [tilespmem:s19+$0xFFFFFFA0]  }
0xe5: {  	v1 =	vld [tilespmem:s19+$0x20]  }
0xe6: {  	v2 =	vld [tilespmem:s19+$0xA0];
	_ =	sdelay $0x3  }
0xe7: {  	v0 =	vadd.f32 v1, v0;
	_ =	sdelay $0x1  }
.Ltmp1:
0xe8: {  	v0 =	vadd.f32 v2, v0;
	(pc) =	sbr.rel @p0 .LBB2_5-.Ltmp1, $4  }
0xe9: {  	_ = 	snop  }
0xea: {  	[tilespmem:s20+$0xB5E0] =	vst v0  }
0xeb: {  	v0 =	vld [tilespmem:s19+$0xFFFFFFB0]  }
0xec: {  	v1 =	vld [tilespmem:s19+$0x30]  }
0xed: {  	_ = 	snop  }
0xee: {  	v2 =	vld [tilespmem:s19+$0xB0];
	_ =	sdelay $0x1  }
0xef: {  	s17 =	sadd.s32 $0x1, s17  }
0xf0: {  	p0 =	sne.s32 s17, $0x21;
	v0 =	vadd.f32 v1, v0  }
.Ltmp2:
0xf1: {  	s18 =	sadd.s32 s6, s18;
	(pc) =	sbr.rel @p0 .LBB2_2-.Ltmp2, $3  }
0xf2: {  	s18 =	smul.u32 $0x300, s18;
	v0 =	vadd.f32 v2, v0;
	_ =	sdelay $0x1  }
0xf3: {  	s18 =	sadd.s32 s4, s18;
	[tilespmem:s20+$0xB5F0] =	vst v0  }
0xf4: {  	[hbm4b:s18+s3] =	stream.linear.scatter [tilespmem:s13], [sflag:$0x3], $0x1800, $0x38;
	[tilespmem:$0xCD80] =	vst v63  }
0xf5: {  	s16 =	sadd.s32 $0x1, s16  }
0xf6: {  	p0 =	sne.s32 s16, s7  }
.Ltmp3:
0xf7: {  	_ = 	snop;
	(pc) =	sbr.rel @p0 .LBB2_1-.Ltmp3, $4  }
0xf8: {  	_ = 	snop  }
0xf9: {  	_ =	swait.ge [sflag:s15], $0x1800  }
0xfa: {  	[sflag:s15] =	ssyncset.done $0x0  }
0xfb: {  	[sflag:s15] =	ssyncadd.s32 $0xFFFFE800  }
0xfc: {  	_ =	sfence.sel $0x180000  }
0xfd: {  	[bflag:$0x0] =	sbarrier.arrive $0xFFFF  }
0xfe: {  	p0 =	sne.s32 s0, $0x0;
	_ =	strace $0x9000004A  }
0xff: {  	s0 =	sadd.s32 @!p0 $0x100000, s1;
	[bflag:$0x2] =	sbarrier.arrive $0xFFFF  }
0x100: {  	[sflag:s0] =	ssyncadd.tile.s32 @!p0 $0x1;
	_ =	shalt  }
.Lfunc_end2:
_tile_overlayer_lowered:
.L_overlay_start_2:
0x101: {  	(tag) =	ssettag $0x2  }
0x102: {  	s0 =	rddreg [dreg:$0x0];
	s2 =	stileid.u32  }
0x103: {  	s1 =	rddreg [dreg:$0x1];
	p0 =	sne.s32 s2, $0x0  }
0x104: {  	s3 =	rddreg [dreg:$0x2];
	[bflag:$0x3] =	sbarrier.arrive $0xFFFF;
	s2 =	simm.s32 @!p0 $0x1C04  }
0x105: {  	[timem:s3], [sflag:s2] =	dma.local @!p0 [hbm:s0], s1  }
0x106: {  	s0 =	simm.s32 @!p0 $0x4  }
0x107: {  	_ =	swait.ge @!p0 [sflag:s0], s1  }
0x108: {  	s1 =	ssub.s32 @!p0 $0x0, s1;
	[sflag:s0] =	ssyncset.done @!p0 $0x0  }
0x109: {  	[sflag:s0] =	ssyncadd.s32 @!p0 s1  }
0x10a: {  	[bflag:$0x3] =	sbarrier.arrive $0xFFFF  }
0x10b: {  	_ =	shalt  }

</sc_bundles>
